<compile_context>
chip_gen: v7x
topology: tpu7x:2x2x1
jax: 0.10.2.dev20260603
libtpu: 0.0.44.dev20260713+nightly
codegen_flags: <defaults>
</compile_context>

<pallas_src>
import functools

import jax
import jax.numpy as jnp
from jax import lax
from jax.experimental import pallas as pl
from jax.experimental.pallas import tpu as pltpu
from jax.experimental.pallas import tpu_sc as plsc

_N = 10000
_E = 320000
_D = 128

_NC = 2
_NS = 16
_CHUNK = 128
_G = 80
_E_PAD = _NC * _NS * _G * _CHUNK
_N_PAD = 10240
_RPT = _N_PAD // _NS
_DW = 128
_BN = 512
_NB = _N_PAD // _BN

_mesh = plsc.VectorSubcoreMesh(core_axis_name="c", subcore_axis_name="s",
                               num_cores=_NC, num_subcores=_NS)



def _deg_body(col_hbm, ones_hbm, zeros_hbm, out_hbm, idxc_all, ones_v, sem, acc):
    cid = lax.axis_index("c")
    sid = lax.axis_index("s")
    pltpu.sync_copy(ones_hbm, ones_v)
    pltpu.sync_copy(zeros_hbm.at[pl.ds(sid * _RPT, _RPT)],
                    acc.at[pl.ds(sid * _RPT, _RPT)])
    tile_base = (cid * _NS + sid) * _G
    pltpu.sync_copy(col_hbm.at[pl.ds(tile_base, _G)], idxc_all)
    plsc.subcore_barrier()

    def body(g, carry):
        pltpu.async_copy(ones_v, acc.at[idxc_all.at[g]], sem, add=True)
        return carry

    lax.fori_loop(0, _G, body, 0)

    def drain(g, carry):
        pltpu.make_async_copy(ones_v, acc.at[idxc_all.at[0]], sem).wait()
        return carry

    lax.fori_loop(0, _G, drain, 0)
    plsc.subcore_barrier()
    pltpu.sync_copy(acc.at[pl.ds(sid * _RPT, _RPT)],
                    out_hbm.at[cid, pl.ds(sid * _RPT, _RPT)])


def _make_deg_kernel(interpret=False):
    return functools.partial(
        pl.kernel,
        out_type=jax.ShapeDtypeStruct((_NC, _N_PAD, _DW), jnp.float32),
        mesh=_mesh,
        interpret=interpret,
        scratch_types=[
            pltpu.VMEM((_G, _CHUNK), jnp.int32),
            pltpu.VMEM((_CHUNK, _DW), jnp.float32),
            pltpu.SemaphoreType.DMA,
            pltpu.VMEM_SHARED((_N_PAD, _DW), jnp.float32),
        ],
    )(_deg_body)


_deg_kernel = _make_deg_kernel()



_EC = 128
_EG = (_E_PAD // (_NC * _NS)) // _EC
_NBUF = 2
_NSEG = 2
_GSEG = _EG // _NSEG



def _edge_body(h_hbm, row_hbm, col_hbm, zeros_hbm, out_hbm,
               idxr_h, idxc_h, rows, gsem, ssem, acc):
    cid = lax.axis_index("c")
    sid = lax.axis_index("s")
    pltpu.sync_copy(zeros_hbm.at[pl.ds(sid * _RPT, _RPT)],
                    acc.at[pl.ds(sid * _RPT, _RPT)])
    tile_base = (cid * _NS + sid) * _EG
    plsc.subcore_barrier()

    nq = _GSEG // _NBUF
    for seg in range(_NSEG):
        if seg > 0:
            for b in range(_NBUF):
                pltpu.make_async_copy(rows.at[b], acc.at[idxc_h.at[0]],
                                      ssem[b]).wait()
        base = tile_base + seg * _GSEG
        pltpu.sync_copy(row_hbm.at[pl.ds(base, _GSEG)], idxr_h)
        pltpu.sync_copy(col_hbm.at[pl.ds(base, _GSEG)], idxc_h)

        def body(q, carry):
            descs = []
            for b in range(_NBUF):
                c = q * _NBUF + b

                @pl.when(q >= 1)
                def _():
                    pltpu.make_async_copy(
                        rows.at[b], acc.at[idxc_h.at[c]], ssem[b]).wait()

                descs.append(pltpu.async_copy(
                    h_hbm.at[idxr_h.at[c]], rows.at[b], gsem[b]))
            for b in range(_NBUF):
                c = q * _NBUF + b
                descs[b].wait()
                pltpu.async_copy(rows.at[b], acc.at[idxc_h.at[c]], ssem[b],
                                 add=True)
            return carry

        lax.fori_loop(0, nq, body, 0)
    for b in range(_NBUF):
        pltpu.make_async_copy(rows.at[b], acc.at[idxc_h.at[b]],
                              ssem[b]).wait()
    plsc.subcore_barrier()
    pltpu.sync_copy(acc.at[pl.ds(sid * _RPT, _RPT)],
                    out_hbm.at[cid, pl.ds(sid * _RPT, _RPT)])


def _make_edge_kernel(interpret=False):
    return functools.partial(
        pl.kernel,
        out_type=jax.ShapeDtypeStruct((_NC, _N_PAD, _D), jnp.float32),
        mesh=_mesh,
        interpret=interpret,
        scratch_types=[
            pltpu.VMEM((_GSEG, _EC), jnp.int32),
            pltpu.VMEM((_GSEG, _EC), jnp.int32),
            pltpu.VMEM((_NBUF, _EC, _D), jnp.float32),
            [pltpu.SemaphoreType.DMA] * _NBUF,
            [pltpu.SemaphoreType.DMA] * _NBUF,
            pltpu.VMEM_SHARED((_N_PAD, _D), jnp.float32),
        ],
    )(_edge_body)


_edge_kernel = _make_edge_kernel()



def _tck0_body(x_ref, w1_ref, u1_ref):
    u1_ref[...] = jnp.dot(x_ref[...], w1_ref[...],
                          preferred_element_type=jnp.float32)


def _tck0(x, w1):
    return pl.pallas_call(
        _tck0_body,
        grid=(_NB,),
        in_specs=[
            pl.BlockSpec((_BN, _D), lambda i: (i, 0)),
            pl.BlockSpec((_D, _D), lambda i: (0, 0)),
        ],
        out_specs=pl.BlockSpec((_BN, _D), lambda i: (i, 0)),
        out_shape=jax.ShapeDtypeStruct((_N, _D), jnp.float32),
    )(x, w1)


def _tck1_body(degp_ref, u1_ref, h1p_ref, dinv_ref):
    i = pl.program_id(0)
    dega = degp_ref[0, pl.ds(i * _BN, _BN), :]
    degb = degp_ref[1, pl.ds(i * _BN, _BN), :]
    deg = dega[:, :1] + degb[:, :1] + 1.0
    dinv = lax.rsqrt(deg)
    dinvb = jnp.broadcast_to(dinv, (_BN, _D))
    dinv_ref[...] = dinvb
    h1p_ref[...] = dinvb * u1_ref[...]


def _tck1(degp, u1):
    return pl.pallas_call(
        _tck1_body,
        grid=(_NB,),
        in_specs=[
            pl.BlockSpec((_NC, _N_PAD, _DW), lambda i: (0, 0, 0)),
            pl.BlockSpec((_BN, _D), lambda i: (i, 0)),
        ],
        out_specs=[
            pl.BlockSpec((_BN, _D), lambda i: (i, 0)),
            pl.BlockSpec((_BN, _D), lambda i: (i, 0)),
        ],
        out_shape=[
            jax.ShapeDtypeStruct((_N, _D), jnp.float32),
            jax.ShapeDtypeStruct((_N, _D), jnp.float32),
        ],
    )(degp, u1)


def _tck2_body(s1p_ref, h1p_ref, dinv_ref, b1_ref, w2_ref, h2p_ref):
    s = s1p_ref[0] + s1p_ref[1]
    o1 = jnp.maximum(dinv_ref[...] * (s + h1p_ref[...]) + b1_ref[...], 0.0)
    h2 = jnp.dot(o1, w2_ref[...], preferred_element_type=jnp.float32)
    h2p_ref[...] = dinv_ref[...] * h2


def _tck2(s1p, h1p, dinvb, b1, w2):
    return pl.pallas_call(
        _tck2_body,
        grid=(_NB,),
        in_specs=[
            pl.BlockSpec((_NC, _BN, _D), lambda i: (0, i, 0)),
            pl.BlockSpec((_BN, _D), lambda i: (i, 0)),
            pl.BlockSpec((_BN, _D), lambda i: (i, 0)),
            pl.BlockSpec((1, _D), lambda i: (0, 0)),
            pl.BlockSpec((_D, _D), lambda i: (0, 0)),
        ],
        out_specs=pl.BlockSpec((_BN, _D), lambda i: (i, 0)),
        out_shape=jax.ShapeDtypeStruct((_N, _D), jnp.float32),
    )(s1p, h1p, dinvb, b1, w2)


def _tck3_body(s2p_ref, h2p_ref, dinv_ref, b2_ref, out_ref):
    s = s2p_ref[0] + s2p_ref[1]
    out_ref[...] = dinv_ref[...] * (s + h2p_ref[...]) + b2_ref[...]


def _tck3(s2p, h2p, dinvb, b2):
    return pl.pallas_call(
        _tck3_body,
        grid=(_NB,),
        in_specs=[
            pl.BlockSpec((_NC, _BN, _D), lambda i: (0, i, 0)),
            pl.BlockSpec((_BN, _D), lambda i: (i, 0)),
            pl.BlockSpec((_BN, _D), lambda i: (i, 0)),
            pl.BlockSpec((1, _D), lambda i: (0, 0)),
        ],
        out_specs=pl.BlockSpec((_BN, _D), lambda i: (i, 0)),
        out_shape=jax.ShapeDtypeStruct((_N, _D), jnp.float32),
    )(s2p, h2p, dinvb, b2)



def kernel(x, edge_index, W1, b1, W2, b2):
    row = edge_index[0]
    col = edge_index[1]
    pad = _E_PAD - _E
    ar = jnp.arange(pad, dtype=jnp.int32)
    row_p = jnp.concatenate([row, ar % _N])
    col_p = jnp.concatenate([col, _N + (ar % 128)])
    row2d_e = row_p.reshape(_E_PAD // _EC, _EC)
    col2d_e = col_p.reshape(_E_PAD // _EC, _EC)
    col2d_d = col_p.reshape(_E_PAD // _CHUNK, _CHUNK)

    zeros_d = jnp.zeros((_N_PAD, _D), jnp.float32)
    zeros_w = jnp.zeros((_N_PAD, _DW), jnp.float32)
    ones_w = jnp.ones((_CHUNK, _DW), jnp.float32)

    u1 = _tck0(x, W1)
    degp = _deg_kernel(col2d_d, ones_w, zeros_w)
    h1p, dinvb = _tck1(degp, u1)
    s1p = _edge_kernel(h1p, row2d_e, col2d_e, zeros_d)
    h2p = _tck2(s1p, h1p, dinvb, b1.reshape(1, _D), W2)
    s2p = _edge_kernel(h2p, row2d_e, col2d_e, zeros_d)
    out = _tck3(s2p, h2p, dinvb, b2.reshape(1, _D))
    return out

# --- scband reference (transcript-rebuilt; emitter-appended) ---
"""Pipeline reference for scband-gcn2-16587163697489 (READ-ONLY COPY).

The authoritative reference and input builder live on the scoring server;
editing this copy changes nothing except your own understanding.
"""

import jax, jax.numpy as jnp
import numpy as np

N = 10000
E = 320000
D_IN = 128
D_HID = 128
D_OUT = 128


def setup_inputs(seed: int = 0) -> dict:
    key = jax.random.key(seed)
    ks = jax.random.split(key, 6)
    x = jax.random.normal(ks[0], (N, D_IN), dtype=jnp.float32)
    edge_index = jax.random.randint(ks[1], (2, E), 0, N, dtype=jnp.int32)
    s1 = 1.0 / np.sqrt(D_IN)
    s2 = 1.0 / np.sqrt(D_HID)
    W1 = jax.random.uniform(ks[2], (D_IN, D_HID), jnp.float32, -s1, s1)
    b1 = jnp.zeros((D_HID,), jnp.float32)
    W2 = jax.random.uniform(ks[3], (D_HID, D_OUT), jnp.float32, -s2, s2)
    b2 = jnp.zeros((D_OUT,), jnp.float32)
    return {"x": x, "edge_index": edge_index, "W1": W1, "b1": b1, "W2": W2, "b2": b2}


def _gcn_norm(edge_index, num_nodes):
    # add self-loops, weight 1.0, symmetric normalization D^-1/2 A D^-1/2
    loop = jnp.arange(num_nodes, dtype=edge_index.dtype)
    row = jnp.concatenate([edge_index[0], loop])
    col = jnp.concatenate([edge_index[1], loop])
    ew = jnp.ones(row.shape[0], dtype=jnp.float32)
    deg = jnp.zeros((num_nodes,), jnp.float32).at[col].add(ew)
    deg_inv_sqrt = jnp.where(deg > 0, deg ** -0.5, 0.0)
    norm = deg_inv_sqrt[row] * ew * deg_inv_sqrt[col]
    return row, col, norm


def _gcn_conv(x, row, col, norm, W, b, num_nodes):
    h = x @ W
    msg = norm[:, None] * jnp.take(h, row, axis=0)
    out = jnp.zeros((num_nodes, h.shape[1]), h.dtype).at[col].add(msg)
    return out + b


def reference(x, edge_index, W1, b1, W2, b2):
    num_nodes = x.shape[0]
    row, col, norm = _gcn_norm(edge_index, num_nodes)
    h = _gcn_conv(x, row, col, norm, W1, b1, num_nodes)
    h = jax.nn.relu(h)
    # dropout is identity in eval mode
    out = _gcn_conv(h, row, col, norm, W2, b2, num_nodes)
    return out

if __name__ == "__main__":
    import jax
    _d = setup_inputs()
    print(jax.jit(kernel)(*tuple(_d.values())))

</pallas_src>

<mosaic_0001>
#map = affine_map<(d0, d1) -> (0, 0)>
#map1 = affine_map<(d0, d1) -> (0, 0, 0)>
module attributes {stable_mosaic.version = 14 : i64} {
  func.func @_deg_body(%arg0: i32, %arg1: i32, %arg2: memref<2560x128xi32, #tpu.memory_space<hbm>>, %arg3: memref<128x128xf32, #tpu.memory_space<hbm>>, %arg4: memref<10240x128xf32, #tpu.memory_space<hbm>>, %arg5: memref<2x10240x128xf32, #tpu.memory_space<hbm>>, %arg6: memref<80x128xi32, #tpu.memory_space<vmem>>, %arg7: memref<128x128xf32, #tpu.memory_space<vmem>>, %arg8: memref<!tpu.dma_semaphore, #tpu.memory_space<semaphore_mem>>, %arg9: memref<10240x128xf32, #tpu.memory_space<vmem_shared>>) attributes {dimension_semantics = [#tpu.dimension_semantics<core_parallel>, #tpu.dimension_semantics<subcore_parallel>], iteration_bounds = array<i64: 2, 16>, scalar_prefetch = 0 : i64, scratch_operands = 4 : i64, tpu.core_type = #tpu.core_type<sc_vector_subcore>, window_params = [{transform_indices = #map}, {transform_indices = #map}, {transform_indices = #map}, {transform_indices = #map1}]} {
    "tpu.region"() ({
      %run_scoped3A = tpu.sem_alloc : memref<!tpu.dma_semaphore, #tpu.memory_space<semaphore_mem>>
      tpu.enqueue_dma source(%arg3 : memref<128x128xf32, #tpu.memory_space<hbm>>) target(%arg7 : memref<128x128xf32, #tpu.memory_space<vmem>>) target_semaphore(%run_scoped3A : memref<!tpu.dma_semaphore, #tpu.memory_space<semaphore_mem>>)
      tpu.wait_dma2 semaphore(%run_scoped3A : memref<!tpu.dma_semaphore, #tpu.memory_space<semaphore_mem>>) src(%arg3 : memref<128x128xf32, #tpu.memory_space<hbm>>) dst(%arg7 : memref<128x128xf32, #tpu.memory_space<vmem>>)
      tpu.yield
    }) : () -> ()
    %mul3A = arith.constant 640 : i32
    %mul3A_0 = arith.muli %arg1, %mul3A : i32
    %mul3A_1 = arith.constant 640 : i32
    %mul3A_2 = arith.muli %arg1, %mul3A_1 : i32
    "tpu.region"() ({
      %run_scoped3A = tpu.sem_alloc : memref<!tpu.dma_semaphore, #tpu.memory_space<semaphore_mem>>
      %dma_start3A = arith.constant 0 : i32
      %dma_start3A_23 = tpu.memref_slice %arg9[%mul3A_2, %dma_start3A] : memref<10240x128xf32, #tpu.memory_space<vmem_shared>> -> memref<640x128xf32, #tpu.memory_space<vmem_shared>>
      %dma_start3A_24 = arith.constant 0 : i32
      %dma_start3A_25 = tpu.memref_slice %arg4[%mul3A_0, %dma_start3A_24] : memref<10240x128xf32, #tpu.memory_space<hbm>> -> memref<640x128xf32, #tpu.memory_space<hbm>>
      tpu.enqueue_dma source(%dma_start3A_25 : memref<640x128xf32, #tpu.memory_space<hbm>>) target(%dma_start3A_23 : memref<640x128xf32, #tpu.memory_space<vmem_shared>>) target_semaphore(%run_scoped3A : memref<!tpu.dma_semaphore, #tpu.memory_space<semaphore_mem>>)
      %dma_wait3A = arith.constant 0 : i32
      %dma_wait3A_26 = tpu.memref_slice %arg9[%mul3A_2, %dma_wait3A] : memref<10240x128xf32, #tpu.memory_space<vmem_shared>> -> memref<640x128xf32, #tpu.memory_space<vmem_shared>>
      %dma_wait3A_27 = arith.constant 0 : i32
      %dma_wait3A_28 = tpu.memref_slice %arg4[%mul3A_0, %dma_wait3A_27] : memref<10240x128xf32, #tpu.memory_space<hbm>> -> memref<640x128xf32, #tpu.memory_space<hbm>>
      tpu.wait_dma2 semaphore(%run_scoped3A : memref<!tpu.dma_semaphore, #tpu.memory_space<semaphore_mem>>) src(%dma_wait3A_28 : memref<640x128xf32, #tpu.memory_space<hbm>>) dst(%dma_wait3A_26 : memref<640x128xf32, #tpu.memory_space<vmem_shared>>)
      tpu.yield
    }) : () -> ()
    %mul3A_3 = arith.constant 16 : i32
    %mul3A_4 = arith.muli %arg0, %mul3A_3 : i32
    %add3A = arith.addi %mul3A_4, %arg1 : i32
    %mul3A_5 = arith.constant 80 : i32
    %mul3A_6 = arith.muli %add3A, %mul3A_5 : i32
    "tpu.region"() ({
      %run_scoped3A = tpu.sem_alloc : memref<!tpu.dma_semaphore, #tpu.memory_space<semaphore_mem>>
      %dma_start3A = arith.constant 0 : i32
      %dma_start3A_23 = tpu.memref_slice %arg2[%mul3A_6, %dma_start3A] : memref<2560x128xi32, #tpu.memory_space<hbm>> -> memref<80x128xi32, #tpu.memory_space<hbm>>
      %dma_start3A_24 = arith.constant 0 : i32
      %dma_start3A_25 = tpu.memref_slice %arg2[%mul3A_6, %dma_start3A_24] : memref<2560x128xi32, #tpu.memory_space<hbm>> -> memref<80x128xi32, #tpu.memory_space<hbm>>
      tpu.enqueue_dma source(%dma_start3A_25 : memref<80x128xi32, #tpu.memory_space<hbm>>) target(%arg6 : memref<80x128xi32, #tpu.memory_space<vmem>>) target_semaphore(%run_scoped3A : memref<!tpu.dma_semaphore, #tpu.memory_space<semaphore_mem>>)
      %dma_wait3A = arith.constant 0 : i32
      %dma_wait3A_26 = tpu.memref_slice %arg2[%mul3A_6, %dma_wait3A] : memref<2560x128xi32, #tpu.memory_space<hbm>> -> memref<80x128xi32, #tpu.memory_space<hbm>>
      %dma_wait3A_27 = arith.constant 0 : i32
      %dma_wait3A_28 = tpu.memref_slice %arg2[%mul3A_6, %dma_wait3A_27] : memref<2560x128xi32, #tpu.memory_space<hbm>> -> memref<80x128xi32, #tpu.memory_space<hbm>>
      tpu.wait_dma2 semaphore(%run_scoped3A : memref<!tpu.dma_semaphore, #tpu.memory_space<semaphore_mem>>) src(%dma_wait3A_28 : memref<80x128xi32, #tpu.memory_space<hbm>>) dst(%arg6 : memref<80x128xi32, #tpu.memory_space<vmem>>)
      tpu.yield
    }) : () -> ()
    %barrier3A = arith.constant 0 : index
    tpu.barrier barrier_id(%barrier3A)
    %scan3A = arith.constant 0 : i32
    %scan3A_7 = arith.constant 0 : i32
    %scan3A_8 = arith.constant 80 : i32
    %scan3A_9 = arith.addi %scan3A_7, %scan3A_8 : i32
    %scan3A_10 = arith.constant 1 : i32
    scf.for %scan3A_23 = %scan3A_7 to %scan3A_9 step %scan3A_10  : i32 {
      %dma_start3A = arith.constant 0 : i32
      %dma_start3A_24 = tpu.memref_slice %arg6[%scan3A_23, %dma_start3A] : memref<80x128xi32, #tpu.memory_space<vmem>> -> memref<1x128xi32, #tpu.memory_space<vmem>>
      %dma_start3A_25 = tpu.memref_squeeze %dma_start3A_24 : memref<1x128xi32, #tpu.memory_space<vmem>> -> memref<128xi32, #tpu.memory_space<vmem>>
      %dma_start3A_26 = arith.constant 0 : i32
      %dma_start3A_27 = arith.constant 0 : i32
      %dma_start3A_28 = tpu.memref_slice %arg9[%dma_start3A_26, %dma_start3A_27] : memref<10240x128xf32, #tpu.memory_space<vmem_shared>> -> memref<10240x128xf32, #tpu.memory_space<vmem_shared>>
      tpu.enqueue_indirect_dma source(%arg7 : memref<128x128xf32, #tpu.memory_space<vmem>>) target(%dma_start3A_28 : memref<10240x128xf32, #tpu.memory_space<vmem_shared>>) offsets(%dma_start3A_25 : memref<128xi32, #tpu.memory_space<vmem>>) semaphore(%arg8 : memref<!tpu.dma_semaphore, #tpu.memory_space<semaphore_mem>>) {add = true}
    }
    %scan3A_11 = arith.constant 80 : i32
    %scan3A_12 = arith.constant 0 : i32
    %scan3A_13 = arith.constant 0 : i32
    %scan3A_14 = arith.constant 80 : i32
    %scan3A_15 = arith.addi %scan3A_13, %scan3A_14 : i32
    %scan3A_16 = arith.constant 1 : i32
    scf.for %scan3A_23 = %scan3A_13 to %scan3A_15 step %scan3A_16  : i32 {
      %dma_wait3A = arith.constant 0 : i32
      %dma_wait3A_24 = arith.constant 0 : i32
      %dma_wait3A_25 = tpu.memref_slice %arg6[%dma_wait3A, %dma_wait3A_24] : memref<80x128xi32, #tpu.memory_space<vmem>> -> memref<1x128xi32, #tpu.memory_space<vmem>>
      %dma_wait3A_26 = tpu.memref_squeeze %dma_wait3A_25 : memref<1x128xi32, #tpu.memory_space<vmem>> -> memref<128xi32, #tpu.memory_space<vmem>>
      %dma_wait3A_27 = arith.constant 0 : i32
      %dma_wait3A_28 = arith.constant 0 : i32
      %dma_wait3A_29 = tpu.memref_slice %arg9[%dma_wait3A_27, %dma_wait3A_28] : memref<10240x128xf32, #tpu.memory_space<vmem_shared>> -> memref<10240x128xf32, #tpu.memory_space<vmem_shared>>
      tpu.wait_indirect_dma semaphore(%arg8 : memref<!tpu.dma_semaphore, #tpu.memory_space<semaphore_mem>>) src(%arg7 : memref<128x128xf32, #tpu.memory_space<vmem>>) dst(%dma_wait3A_29 : memref<10240x128xf32, #tpu.memory_space<vmem_shared>>)
    }
    %scan3A_17 = arith.constant 80 : i32
    %barrier3A_18 = arith.constant 0 : index
    tpu.barrier barrier_id(%barrier3A_18)
    %mul3A_19 = arith.constant 640 : i32
    %mul3A_20 = arith.muli %arg1, %mul3A_19 : i32
    %mul3A_21 = arith.constant 640 : i32
    %mul3A_22 = arith.muli %arg1, %mul3A_21 : i32
    "tpu.region"() ({
      %run_scoped3A = tpu.sem_alloc : memref<!tpu.dma_semaphore, #tpu.memory_space<semaphore_mem>>
      %dma_start3A = arith.constant 0 : i32
      %dma_start3A_23 = tpu.memref_slice %arg5[%arg0, %mul3A_22, %dma_start3A] : memref<2x10240x128xf32, #tpu.memory_space<hbm>> -> memref<1x640x128xf32, #tpu.memory_space<hbm>>
      %dma_start3A_24 = tpu.memref_squeeze %dma_start3A_23 : memref<1x640x128xf32, #tpu.memory_space<hbm>> -> memref<640x128xf32, #tpu.memory_space<hbm>>
      %dma_start3A_25 = arith.constant 0 : i32
      %dma_start3A_26 = tpu.memref_slice %arg9[%mul3A_20, %dma_start3A_25] : memref<10240x128xf32, #tpu.memory_space<vmem_shared>> -> memref<640x128xf32, #tpu.memory_space<vmem_shared>>
      tpu.enqueue_dma source(%dma_start3A_26 : memref<640x128xf32, #tpu.memory_space<vmem_shared>>) target(%dma_start3A_24 : memref<640x128xf32, #tpu.memory_space<hbm>>) target_semaphore(%run_scoped3A : memref<!tpu.dma_semaphore, #tpu.memory_space<semaphore_mem>>)
      %dma_wait3A = arith.constant 0 : i32
      %dma_wait3A_27 = tpu.memref_slice %arg5[%arg0, %mul3A_22, %dma_wait3A] : memref<2x10240x128xf32, #tpu.memory_space<hbm>> -> memref<1x640x128xf32, #tpu.memory_space<hbm>>
      %dma_wait3A_28 = tpu.memref_squeeze %dma_wait3A_27 : memref<1x640x128xf32, #tpu.memory_space<hbm>> -> memref<640x128xf32, #tpu.memory_space<hbm>>
      %dma_wait3A_29 = arith.constant 0 : i32
      %dma_wait3A_30 = tpu.memref_slice %arg9[%mul3A_20, %dma_wait3A_29] : memref<10240x128xf32, #tpu.memory_space<vmem_shared>> -> memref<640x128xf32, #tpu.memory_space<vmem_shared>>
      tpu.wait_dma2 semaphore(%run_scoped3A : memref<!tpu.dma_semaphore, #tpu.memory_space<semaphore_mem>>) src(%dma_wait3A_30 : memref<640x128xf32, #tpu.memory_space<vmem_shared>>) dst(%dma_wait3A_28 : memref<640x128xf32, #tpu.memory_space<hbm>>)
      tpu.yield
    }) : () -> ()
    return
  }
}

#map = affine_map<(d0, d1) -> (0, 0)>
#map1 = affine_map<(d0, d1) -> (0, 0, 0)>
module attributes {stable_mosaic.version = 14 : i64} {
  func.func @_edge_body(%arg0: i32, %arg1: i32, %arg2: memref<10000x128xf32, #tpu.memory_space<hbm>>, %arg3: memref<2560x128xi32, #tpu.memory_space<hbm>>, %arg4: memref<2560x128xi32, #tpu.memory_space<hbm>>, %arg5: memref<10240x128xf32, #tpu.memory_space<hbm>>, %arg6: memref<2x10240x128xf32, #tpu.memory_space<hbm>>, %arg7: memref<40x128xi32, #tpu.memory_space<vmem>>, %arg8: memref<40x128xi32, #tpu.memory_space<vmem>>, %arg9: memref<2x128x128xf32, #tpu.memory_space<vmem>>, %arg10: memref<!tpu.dma_semaphore, #tpu.memory_space<semaphore_mem>>, %arg11: memref<!tpu.dma_semaphore, #tpu.memory_space<semaphore_mem>>, %arg12: memref<!tpu.dma_semaphore, #tpu.memory_space<semaphore_mem>>, %arg13: memref<!tpu.dma_semaphore, #tpu.memory_space<semaphore_mem>>, %arg14: memref<10240x128xf32, #tpu.memory_space<vmem_shared>>) attributes {dimension_semantics = [#tpu.dimension_semantics<core_parallel>, #tpu.dimension_semantics<subcore_parallel>], iteration_bounds = array<i64: 2, 16>, scalar_prefetch = 0 : i64, scratch_operands = 8 : i64, tpu.core_type = #tpu.core_type<sc_vector_subcore>, window_params = [{transform_indices = #map}, {transform_indices = #map}, {transform_indices = #map}, {transform_indices = #map}, {transform_indices = #map1}]} {
    %mul3A = arith.constant 640 : i32
    %mul3A_0 = arith.muli %arg1, %mul3A : i32
    %mul3A_1 = arith.constant 640 : i32
    %mul3A_2 = arith.muli %arg1, %mul3A_1 : i32
    "tpu.region"() ({
      %run_scoped3A = tpu.sem_alloc : memref<!tpu.dma_semaphore, #tpu.memory_space<semaphore_mem>>
      %dma_start3A = arith.constant 0 : i32
      %dma_start3A_74 = tpu.memref_slice %arg14[%mul3A_2, %dma_start3A] : memref<10240x128xf32, #tpu.memory_space<vmem_shared>> -> memref<640x128xf32, #tpu.memory_space<vmem_shared>>
      %dma_start3A_75 = arith.constant 0 : i32
      %dma_start3A_76 = tpu.memref_slice %arg5[%mul3A_0, %dma_start3A_75] : memref<10240x128xf32, #tpu.memory_space<hbm>> -> memref<640x128xf32, #tpu.memory_space<hbm>>
      tpu.enqueue_dma source(%dma_start3A_76 : memref<640x128xf32, #tpu.memory_space<hbm>>) target(%dma_start3A_74 : memref<640x128xf32, #tpu.memory_space<vmem_shared>>) target_semaphore(%run_scoped3A : memref<!tpu.dma_semaphore, #tpu.memory_space<semaphore_mem>>)
      %dma_wait3A_77 = arith.constant 0 : i32
      %dma_wait3A_78 = tpu.memref_slice %arg14[%mul3A_2, %dma_wait3A_77] : memref<10240x128xf32, #tpu.memory_space<vmem_shared>> -> memref<640x128xf32, #tpu.memory_space<vmem_shared>>
      %dma_wait3A_79 = arith.constant 0 : i32
      %dma_wait3A_80 = tpu.memref_slice %arg5[%mul3A_0, %dma_wait3A_79] : memref<10240x128xf32, #tpu.memory_space<hbm>> -> memref<640x128xf32, #tpu.memory_space<hbm>>
      tpu.wait_dma2 semaphore(%run_scoped3A : memref<!tpu.dma_semaphore, #tpu.memory_space<semaphore_mem>>) src(%dma_wait3A_80 : memref<640x128xf32, #tpu.memory_space<hbm>>) dst(%dma_wait3A_78 : memref<640x128xf32, #tpu.memory_space<vmem_shared>>)
      tpu.yield
    }) : () -> ()
    %mul3A_3 = arith.constant 16 : i32
    %mul3A_4 = arith.muli %arg0, %mul3A_3 : i32
    %add3A = arith.addi %mul3A_4, %arg1 : i32
    %mul3A_5 = arith.constant 80 : i32
    %mul3A_6 = arith.muli %add3A, %mul3A_5 : i32
    %barrier3A = arith.constant 0 : index
    tpu.barrier barrier_id(%barrier3A)
    %add3A_7 = arith.constant 0 : i32
    %add3A_8 = arith.addi %mul3A_6, %add3A_7 : i32
    "tpu.region"() ({
      %run_scoped3A = tpu.sem_alloc : memref<!tpu.dma_semaphore, #tpu.memory_space<semaphore_mem>>
      %dma_start3A = arith.constant 0 : i32
      %dma_start3A_74 = tpu.memref_slice %arg3[%add3A_8, %dma_start3A] : memref<2560x128xi32, #tpu.memory_space<hbm>> -> memref<40x128xi32, #tpu.memory_space<hbm>>
      %dma_start3A_75 = arith.constant 0 : i32
      %dma_start3A_76 = tpu.memref_slice %arg3[%add3A_8, %dma_start3A_75] : memref<2560x128xi32, #tpu.memory_space<hbm>> -> memref<40x128xi32, #tpu.memory_space<hbm>>
      tpu.enqueue_dma source(%dma_start3A_76 : memref<40x128xi32, #tpu.memory_space<hbm>>) target(%arg7 : memref<40x128xi32, #tpu.memory_space<vmem>>) target_semaphore(%run_scoped3A : memref<!tpu.dma_semaphore, #tpu.memory_space<semaphore_mem>>)
      %dma_wait3A_77 = arith.constant 0 : i32
      %dma_wait3A_78 = tpu.memref_slice %arg3[%add3A_8, %dma_wait3A_77] : memref<2560x128xi32, #tpu.memory_space<hbm>> -> memref<40x128xi32, #tpu.memory_space<hbm>>
      %dma_wait3A_79 = arith.constant 0 : i32
      %dma_wait3A_80 = tpu.memref_slice %arg3[%add3A_8, %dma_wait3A_79] : memref<2560x128xi32, #tpu.memory_space<hbm>> -> memref<40x128xi32, #tpu.memory_space<hbm>>
      tpu.wait_dma2 semaphore(%run_scoped3A : memref<!tpu.dma_semaphore, #tpu.memory_space<semaphore_mem>>) src(%dma_wait3A_80 : memref<40x128xi32, #tpu.memory_space<hbm>>) dst(%arg7 : memref<40x128xi32, #tpu.memory_space<vmem>>)
      tpu.yield
    }) : () -> ()
    "tpu.region"() ({
      %run_scoped3A = tpu.sem_alloc : memref<!tpu.dma_semaphore, #tpu.memory_space<semaphore_mem>>
      %dma_start3A = arith.constant 0 : i32
      %dma_start3A_74 = tpu.memref_slice %arg4[%add3A_8, %dma_start3A] : memref<2560x128xi32, #tpu.memory_space<hbm>> -> memref<40x128xi32, #tpu.memory_space<hbm>>
      %dma_start3A_75 = arith.constant 0 : i32
      %dma_start3A_76 = tpu.memref_slice %arg4[%add3A_8, %dma_start3A_75] : memref<2560x128xi32, #tpu.memory_space<hbm>> -> memref<40x128xi32, #tpu.memory_space<hbm>>
      tpu.enqueue_dma source(%dma_start3A_76 : memref<40x128xi32, #tpu.memory_space<hbm>>) target(%arg8 : memref<40x128xi32, #tpu.memory_space<vmem>>) target_semaphore(%run_scoped3A : memref<!tpu.dma_semaphore, #tpu.memory_space<semaphore_mem>>)
      %dma_wait3A_77 = arith.constant 0 : i32
      %dma_wait3A_78 = tpu.memref_slice %arg4[%add3A_8, %dma_wait3A_77] : memref<2560x128xi32, #tpu.memory_space<hbm>> -> memref<40x128xi32, #tpu.memory_space<hbm>>
      %dma_wait3A_79 = arith.constant 0 : i32
      %dma_wait3A_80 = tpu.memref_slice %arg4[%add3A_8, %dma_wait3A_79] : memref<2560x128xi32, #tpu.memory_space<hbm>> -> memref<40x128xi32, #tpu.memory_space<hbm>>
      tpu.wait_dma2 semaphore(%run_scoped3A : memref<!tpu.dma_semaphore, #tpu.memory_space<semaphore_mem>>) src(%dma_wait3A_80 : memref<40x128xi32, #tpu.memory_space<hbm>>) dst(%arg8 : memref<40x128xi32, #tpu.memory_space<vmem>>)
      tpu.yield
    }) : () -> ()
    %scan3A = arith.constant 0 : i32
    %scan3A_9 = arith.constant 0 : i32
    %scan3A_10 = arith.constant 20 : i32
    %scan3A_11 = arith.addi %scan3A_9, %scan3A_10 : i32
    %scan3A_12 = arith.constant 1 : i32
    scf.for %scan3A_74 = %scan3A_9 to %scan3A_11 step %scan3A_12  : i32 {
      %mul3A_75 = arith.constant 2 : i32
      %mul3A_76 = arith.muli %scan3A_74, %mul3A_75 : i32
      %add3A_77 = arith.constant 0 : i32
      %add3A_78 = arith.addi %mul3A_76, %add3A_77 : i32
      %ge3A = arith.constant 1 : i32
      %ge3A_79 = arith.cmpi sge, %scan3A_74, %ge3A : i32
      %convert_element_type3A = arith.extui %ge3A_79 : i1 to i32
      %cond3A = arith.constant 0 : i32
      %cond3A_80 = arith.cmpi ne, %convert_element_type3A, %cond3A : i32
      scf.if %cond3A_80 {
        %dma_wait3A_163 = arith.constant 0 : i32
        %dma_wait3A_164 = arith.constant 0 : i32
        %dma_wait3A_165 = arith.constant 0 : i32
        %dma_wait3A_166 = tpu.memref_slice %arg9[%dma_wait3A_163, %dma_wait3A_164, %dma_wait3A_165] : memref<2x128x128xf32, #tpu.memory_space<vmem>> -> memref<1x128x128xf32, #tpu.memory_space<vmem>>
        %dma_wait3A_167 = tpu.memref_squeeze %dma_wait3A_166 : memref<1x128x128xf32, #tpu.memory_space<vmem>> -> memref<128x128xf32, #tpu.memory_space<vmem>>
        %dma_wait3A_168 = arith.constant 0 : i32
        %dma_wait3A_169 = tpu.memref_slice %arg8[%add3A_78, %dma_wait3A_168] : memref<40x128xi32, #tpu.memory_space<vmem>> -> memref<1x128xi32, #tpu.memory_space<vmem>>
        %dma_wait3A_170 = tpu.memref_squeeze %dma_wait3A_169 : memref<1x128xi32, #tpu.memory_space<vmem>> -> memref<128xi32, #tpu.memory_space<vmem>>
        %dma_wait3A_171 = arith.constant 0 : i32
        %dma_wait3A_172 = arith.constant 0 : i32
        %dma_wait3A_173 = tpu.memref_slice %arg14[%dma_wait3A_171, %dma_wait3A_172] : memref<10240x128xf32, #tpu.memory_space<vmem_shared>> -> memref<10240x128xf32, #tpu.memory_space<vmem_shared>>
        tpu.wait_indirect_dma semaphore(%arg12 : memref<!tpu.dma_semaphore, #tpu.memory_space<semaphore_mem>>) src(%dma_wait3A_167 : memref<128x128xf32, #tpu.memory_space<vmem>>) dst(%dma_wait3A_173 : memref<10240x128xf32, #tpu.memory_space<vmem_shared>>)
      } else {
      }
      %dma_start3A = arith.constant 0 : i32
      %dma_start3A_81 = arith.constant 0 : i32
      %dma_start3A_82 = arith.constant 0 : i32
      %dma_start3A_83 = tpu.memref_slice %arg9[%dma_start3A, %dma_start3A_81, %dma_start3A_82] : memref<2x128x128xf32, #tpu.memory_space<vmem>> -> memref<1x128x128xf32, #tpu.memory_space<vmem>>
      %dma_start3A_84 = tpu.memref_squeeze %dma_start3A_83 : memref<1x128x128xf32, #tpu.memory_space<vmem>> -> memref<128x128xf32, #tpu.memory_space<vmem>>
      %dma_start3A_85 = arith.constant 0 : i32
      %dma_start3A_86 = tpu.memref_slice %arg7[%add3A_78, %dma_start3A_85] : memref<40x128xi32, #tpu.memory_space<vmem>> -> memref<1x128xi32, #tpu.memory_space<vmem>>
      %dma_start3A_87 = tpu.memref_squeeze %dma_start3A_86 : memref<1x128xi32, #tpu.memory_space<vmem>> -> memref<128xi32, #tpu.memory_space<vmem>>
      %dma_start3A_88 = arith.constant 0 : i32
      %dma_start3A_89 = arith.constant 0 : i32
      %dma_start3A_90 = tpu.memref_slice %arg2[%dma_start3A_88, %dma_start3A_89] : memref<10000x128xf32, #tpu.memory_space<hbm>> -> memref<10000x128xf32, #tpu.memory_space<hbm>>
      tpu.enqueue_indirect_dma source(%dma_start3A_90 : memref<10000x128xf32, #tpu.memory_space<hbm>>) target(%dma_start3A_84 : memref<128x128xf32, #tpu.memory_space<vmem>>) offsets(%dma_start3A_87 : memref<128xi32, #tpu.memory_space<vmem>>) semaphore(%arg10 : memref<!tpu.dma_semaphore, #tpu.memory_space<semaphore_mem>>)
      %mul3A_91 = arith.constant 2 : i32
      %mul3A_92 = arith.muli %scan3A_74, %mul3A_91 : i32
      %add3A_93 = arith.constant 1 : i32
      %add3A_94 = arith.addi %mul3A_92, %add3A_93 : i32
      %ge3A_95 = arith.constant 1 : i32
      %ge3A_96 = arith.cmpi sge, %scan3A_74, %ge3A_95 : i32
      %convert_element_type3A_97 = arith.extui %ge3A_96 : i1 to i32
      %cond3A_98 = arith.constant 0 : i32
      %cond3A_99 = arith.cmpi ne, %convert_element_type3A_97, %cond3A_98 : i32
      scf.if %cond3A_99 {
        %dma_wait3A_163 = arith.constant 1 : i32
        %dma_wait3A_164 = arith.constant 0 : i32
        %dma_wait3A_165 = arith.constant 0 : i32
        %dma_wait3A_166 = tpu.memref_slice %arg9[%dma_wait3A_163, %dma_wait3A_164, %dma_wait3A_165] : memref<2x128x128xf32, #tpu.memory_space<vmem>> -> memref<1x128x128xf32, #tpu.memory_space<vmem>>
        %dma_wait3A_167 = tpu.memref_squeeze %dma_wait3A_166 : memref<1x128x128xf32, #tpu.memory_space<vmem>> -> memref<128x128xf32, #tpu.memory_space<vmem>>
        %dma_wait3A_168 = arith.constant 0 : i32
        %dma_wait3A_169 = tpu.memref_slice %arg8[%add3A_94, %dma_wait3A_168] : memref<40x128xi32, #tpu.memory_space<vmem>> -> memref<1x128xi32, #tpu.memory_space<vmem>>
        %dma_wait3A_170 = tpu.memref_squeeze %dma_wait3A_169 : memref<1x128xi32, #tpu.memory_space<vmem>> -> memref<128xi32, #tpu.memory_space<vmem>>
        %dma_wait3A_171 = arith.constant 0 : i32
        %dma_wait3A_172 = arith.constant 0 : i32
        %dma_wait3A_173 = tpu.memref_slice %arg14[%dma_wait3A_171, %dma_wait3A_172] : memref<10240x128xf32, #tpu.memory_space<vmem_shared>> -> memref<10240x128xf32, #tpu.memory_space<vmem_shared>>
        tpu.wait_indirect_dma semaphore(%arg13 : memref<!tpu.dma_semaphore, #tpu.memory_space<semaphore_mem>>) src(%dma_wait3A_167 : memref<128x128xf32, #tpu.memory_space<vmem>>) dst(%dma_wait3A_173 : memref<10240x128xf32, #tpu.memory_space<vmem_shared>>)
      } else {
      }
      %dma_start3A_100 = arith.constant 1 : i32
      %dma_start3A_101 = arith.constant 0 : i32
      %dma_start3A_102 = arith.constant 0 : i32
      %dma_start3A_103 = tpu.memref_slice %arg9[%dma_start3A_100, %dma_start3A_101, %dma_start3A_102] : memref<2x128x128xf32, #tpu.memory_space<vmem>> -> memref<1x128x128xf32, #tpu.memory_space<vmem>>
      %dma_start3A_104 = tpu.memref_squeeze %dma_start3A_103 : memref<1x128x128xf32, #tpu.memory_space<vmem>> -> memref<128x128xf32, #tpu.memory_space<vmem>>
      %dma_start3A_105 = arith.constant 0 : i32
      %dma_start3A_106 = tpu.memref_slice %arg7[%add3A_94, %dma_start3A_105] : memref<40x128xi32, #tpu.memory_space<vmem>> -> memref<1x128xi32, #tpu.memory_space<vmem>>
      %dma_start3A_107 = tpu.memref_squeeze %dma_start3A_106 : memref<1x128xi32, #tpu.memory_space<vmem>> -> memref<128xi32, #tpu.memory_space<vmem>>
      %dma_start3A_108 = arith.constant 0 : i32
      %dma_start3A_109 = arith.constant 0 : i32
      %dma_start3A_110 = tpu.memref_slice %arg2[%dma_start3A_108, %dma_start3A_109] : memref<10000x128xf32, #tpu.memory_space<hbm>> -> memref<10000x128xf32, #tpu.memory_space<hbm>>
      tpu.enqueue_indirect_dma source(%dma_start3A_110 : memref<10000x128xf32, #tpu.memory_space<hbm>>) target(%dma_start3A_104 : memref<128x128xf32, #tpu.memory_space<vmem>>) offsets(%dma_start3A_107 : memref<128xi32, #tpu.memory_space<vmem>>) semaphore(%arg11 : memref<!tpu.dma_semaphore, #tpu.memory_space<semaphore_mem>>)
      %mul3A_111 = arith.constant 2 : i32
      %mul3A_112 = arith.muli %scan3A_74, %mul3A_111 : i32
      %add3A_113 = arith.constant 0 : i32
      %add3A_114 = arith.addi %mul3A_112, %add3A_113 : i32
      %dma_wait3A_115 = arith.constant 0 : i32
      %dma_wait3A_116 = arith.constant 0 : i32
      %dma_wait3A_117 = arith.constant 0 : i32
      %dma_wait3A_118 = tpu.memref_slice %arg9[%dma_wait3A_115, %dma_wait3A_116, %dma_wait3A_117] : memref<2x128x128xf32, #tpu.memory_space<vmem>> -> memref<1x128x128xf32, #tpu.memory_space<vmem>>
      %dma_wait3A_119 = tpu.memref_squeeze %dma_wait3A_118 : memref<1x128x128xf32, #tpu.memory_space<vmem>> -> memref<128x128xf32, #tpu.memory_space<vmem>>
      %dma_wait3A_120 = arith.constant 0 : i32
      %dma_wait3A_121 = tpu.memref_slice %arg7[%add3A_78, %dma_wait3A_120] : memref<40x128xi32, #tpu.memory_space<vmem>> -> memref<1x128xi32, #tpu.memory_space<vmem>>
      %dma_wait3A_122 = tpu.memref_squeeze %dma_wait3A_121 : memref<1x128xi32, #tpu.memory_space<vmem>> -> memref<128xi32, #tpu.memory_space<vmem>>
      %dma_wait3A_123 = arith.constant 0 : i32
      %dma_wait3A_124 = arith.constant 0 : i32
      %dma_wait3A_125 = tpu.memref_slice %arg2[%dma_wait3A_123, %dma_wait3A_124] : memref<10000x128xf32, #tpu.memory_space<hbm>> -> memref<10000x128xf32, #tpu.memory_space<hbm>>
      tpu.wait_indirect_dma semaphore(%arg10 : memref<!tpu.dma_semaphore, #tpu.memory_space<semaphore_mem>>) src(%dma_wait3A_125 : memref<10000x128xf32, #tpu.memory_space<hbm>>) dst(%dma_wait3A_119 : memref<128x128xf32, #tpu.memory_space<vmem>>)
      %dma_start3A_126 = arith.constant 0 : i32
      %dma_start3A_127 = arith.constant 0 : i32
      %dma_start3A_128 = arith.constant 0 : i32
      %dma_start3A_129 = tpu.memref_slice %arg9[%dma_start3A_126, %dma_start3A_127, %dma_start3A_128] : memref<2x128x128xf32, #tpu.memory_space<vmem>> -> memref<1x128x128xf32, #tpu.memory_space<vmem>>
      %dma_start3A_130 = tpu.memref_squeeze %dma_start3A_129 : memref<1x128x128xf32, #tpu.memory_space<vmem>> -> memref<128x128xf32, #tpu.memory_space<vmem>>
      %dma_start3A_131 = arith.constant 0 : i32
      %dma_start3A_132 = tpu.memref_slice %arg8[%add3A_114, %dma_start3A_131] : memref<40x128xi32, #tpu.memory_space<vmem>> -> memref<1x128xi32, #tpu.memory_space<vmem>>
      %dma_start3A_133 = tpu.memref_squeeze %dma_start3A_132 : memref<1x128xi32, #tpu.memory_space<vmem>> -> memref<128xi32, #tpu.memory_space<vmem>>
      %dma_start3A_134 = arith.constant 0 : i32
      %dma_start3A_135 = arith.constant 0 : i32
      %dma_start3A_136 = tpu.memref_slice %arg14[%dma_start3A_134, %dma_start3A_135] : memref<10240x128xf32, #tpu.memory_space<vmem_shared>> -> memref<10240x128xf32, #tpu.memory_space<vmem_shared>>
      tpu.enqueue_indirect_dma source(%dma_start3A_130 : memref<128x128xf32, #tpu.memory_space<vmem>>) target(%dma_start3A_136 : memref<10240x128xf32, #tpu.memory_space<vmem_shared>>) offsets(%dma_start3A_133 : memref<128xi32, #tpu.memory_space<vmem>>) semaphore(%arg12 : memref<!tpu.dma_semaphore, #tpu.memory_space<semaphore_mem>>) {add = true}
      %mul3A_137 = arith.constant 2 : i32
      %mul3A_138 = arith.muli %scan3A_74, %mul3A_137 : i32
      %add3A_139 = arith.constant 1 : i32
      %add3A_140 = arith.addi %mul3A_138, %add3A_139 : i32
      %dma_wait3A_141 = arith.constant 1 : i32
      %dma_wait3A_142 = arith.constant 0 : i32
      %dma_wait3A_143 = arith.constant 0 : i32
      %dma_wait3A_144 = tpu.memref_slice %arg9[%dma_wait3A_141, %dma_wait3A_142, %dma_wait3A_143] : memref<2x128x128xf32, #tpu.memory_space<vmem>> -> memref<1x128x128xf32, #tpu.memory_space<vmem>>
      %dma_wait3A_145 = tpu.memref_squeeze %dma_wait3A_144 : memref<1x128x128xf32, #tpu.memory_space<vmem>> -> memref<128x128xf32, #tpu.memory_space<vmem>>
      %dma_wait3A_146 = arith.constant 0 : i32
      %dma_wait3A_147 = tpu.memref_slice %arg7[%add3A_94, %dma_wait3A_146] : memref<40x128xi32, #tpu.memory_space<vmem>> -> memref<1x128xi32, #tpu.memory_space<vmem>>
      %dma_wait3A_148 = tpu.memref_squeeze %dma_wait3A_147 : memref<1x128xi32, #tpu.memory_space<vmem>> -> memref<128xi32, #tpu.memory_space<vmem>>
      %dma_wait3A_149 = arith.constant 0 : i32
      %dma_wait3A_150 = arith.constant 0 : i32
      %dma_wait3A_151 = tpu.memref_slice %arg2[%dma_wait3A_149, %dma_wait3A_150] : memref<10000x128xf32, #tpu.memory_space<hbm>> -> memref<10000x128xf32, #tpu.memory_space<hbm>>
      tpu.wait_indirect_dma semaphore(%arg11 : memref<!tpu.dma_semaphore, #tpu.memory_space<semaphore_mem>>) src(%dma_wait3A_151 : memref<10000x128xf32, #tpu.memory_space<hbm>>) dst(%dma_wait3A_145 : memref<128x128xf32, #tpu.memory_space<vmem>>)
      %dma_start3A_152 = arith.constant 1 : i32
      %dma_start3A_153 = arith.constant 0 : i32
      %dma_start3A_154 = arith.constant 0 : i32
      %dma_start3A_155 = tpu.memref_slice %arg9[%dma_start3A_152, %dma_start3A_153, %dma_start3A_154] : memref<2x128x128xf32, #tpu.memory_space<vmem>> -> memref<1x128x128xf32, #tpu.memory_space<vmem>>
      %dma_start3A_156 = tpu.memref_squeeze %dma_start3A_155 : memref<1x128x128xf32, #tpu.memory_space<vmem>> -> memref<128x128xf32, #tpu.memory_space<vmem>>
      %dma_start3A_157 = arith.constant 0 : i32
      %dma_start3A_158 = tpu.memref_slice %arg8[%add3A_140, %dma_start3A_157] : memref<40x128xi32, #tpu.memory_space<vmem>> -> memref<1x128xi32, #tpu.memory_space<vmem>>
      %dma_start3A_159 = tpu.memref_squeeze %dma_start3A_158 : memref<1x128xi32, #tpu.memory_space<vmem>> -> memref<128xi32, #tpu.memory_space<vmem>>
      %dma_start3A_160 = arith.constant 0 : i32
      %dma_start3A_161 = arith.constant 0 : i32
      %dma_start3A_162 = tpu.memref_slice %arg14[%dma_start3A_160, %dma_start3A_161] : memref<10240x128xf32, #tpu.memory_space<vmem_shared>> -> memref<10240x128xf32, #tpu.memory_space<vmem_shared>>
      tpu.enqueue_indirect_dma source(%dma_start3A_156 : memref<128x128xf32, #tpu.memory_space<vmem>>) target(%dma_start3A_162 : memref<10240x128xf32, #tpu.memory_space<vmem_shared>>) offsets(%dma_start3A_159 : memref<128xi32, #tpu.memory_space<vmem>>) semaphore(%arg13 : memref<!tpu.dma_semaphore, #tpu.memory_space<semaphore_mem>>) {add = true}
    }
    %scan3A_13 = arith.constant 20 : i32
    %dma_wait3A = arith.constant 0 : i32
    %dma_wait3A_14 = arith.constant 0 : i32
    %dma_wait3A_15 = arith.constant 0 : i32
    %dma_wait3A_16 = arith.constant 0 : i32
    %dma_wait3A_17 = tpu.memref_slice %arg9[%dma_wait3A, %dma_wait3A_15, %dma_wait3A_16] : memref<2x128x128xf32, #tpu.memory_space<vmem>> -> memref<1x128x128xf32, #tpu.memory_space<vmem>>
    %dma_wait3A_18 = tpu.memref_squeeze %dma_wait3A_17 : memref<1x128x128xf32, #tpu.memory_space<vmem>> -> memref<128x128xf32, #tpu.memory_space<vmem>>
    %dma_wait3A_19 = arith.constant 0 : i32
    %dma_wait3A_20 = tpu.memref_slice %arg8[%dma_wait3A_14, %dma_wait3A_19] : memref<40x128xi32, #tpu.memory_space<vmem>> -> memref<1x128xi32, #tpu.memory_space<vmem>>
    %dma_wait3A_21 = tpu.memref_squeeze %dma_wait3A_20 : memref<1x128xi32, #tpu.memory_space<vmem>> -> memref<128xi32, #tpu.memory_space<vmem>>
    %dma_wait3A_22 = arith.constant 0 : i32
    %dma_wait3A_23 = arith.constant 0 : i32
    %dma_wait3A_24 = tpu.memref_slice %arg14[%dma_wait3A_22, %dma_wait3A_23] : memref<10240x128xf32, #tpu.memory_space<vmem_shared>> -> memref<10240x128xf32, #tpu.memory_space<vmem_shared>>
    tpu.wait_indirect_dma semaphore(%arg12 : memref<!tpu.dma_semaphore, #tpu.memory_space<semaphore_mem>>) src(%dma_wait3A_18 : memref<128x128xf32, #tpu.memory_space<vmem>>) dst(%dma_wait3A_24 : memref<10240x128xf32, #tpu.memory_space<vmem_shared>>)
    %dma_wait3A_25 = arith.constant 1 : i32
    %dma_wait3A_26 = arith.constant 0 : i32
    %dma_wait3A_27 = arith.constant 0 : i32
    %dma_wait3A_28 = arith.constant 0 : i32
    %dma_wait3A_29 = tpu.memref_slice %arg9[%dma_wait3A_25, %dma_wait3A_27, %dma_wait3A_28] : memref<2x128x128xf32, #tpu.memory_space<vmem>> -> memref<1x128x128xf32, #tpu.memory_space<vmem>>
    %dma_wait3A_30 = tpu.memref_squeeze %dma_wait3A_29 : memref<1x128x128xf32, #tpu.memory_space<vmem>> -> memref<128x128xf32, #tpu.memory_space<vmem>>
    %dma_wait3A_31 = arith.constant 0 : i32
    %dma_wait3A_32 = tpu.memref_slice %arg8[%dma_wait3A_26, %dma_wait3A_31] : memref<40x128xi32, #tpu.memory_space<vmem>> -> memref<1x128xi32, #tpu.memory_space<vmem>>
    %dma_wait3A_33 = tpu.memref_squeeze %dma_wait3A_32 : memref<1x128xi32, #tpu.memory_space<vmem>> -> memref<128xi32, #tpu.memory_space<vmem>>
    %dma_wait3A_34 = arith.constant 0 : i32
    %dma_wait3A_35 = arith.constant 0 : i32
    %dma_wait3A_36 = tpu.memref_slice %arg14[%dma_wait3A_34, %dma_wait3A_35] : memref<10240x128xf32, #tpu.memory_space<vmem_shared>> -> memref<10240x128xf32, #tpu.memory_space<vmem_shared>>
    tpu.wait_indirect_dma semaphore(%arg13 : memref<!tpu.dma_semaphore, #tpu.memory_space<semaphore_mem>>) src(%dma_wait3A_30 : memref<128x128xf32, #tpu.memory_space<vmem>>) dst(%dma_wait3A_36 : memref<10240x128xf32, #tpu.memory_space<vmem_shared>>)
    %add3A_37 = arith.constant 40 : i32
    %add3A_38 = arith.addi %mul3A_6, %add3A_37 : i32
    "tpu.region"() ({
      %run_scoped3A = tpu.sem_alloc : memref<!tpu.dma_semaphore, #tpu.memory_space<semaphore_mem>>
      %dma_start3A = arith.constant 0 : i32
      %dma_start3A_74 = tpu.memref_slice %arg3[%add3A_38, %dma_start3A] : memref<2560x128xi32, #tpu.memory_space<hbm>> -> memref<40x128xi32, #tpu.memory_space<hbm>>
      %dma_start3A_75 = arith.constant 0 : i32
      %dma_start3A_76 = tpu.memref_slice %arg3[%add3A_38, %dma_start3A_75] : memref<2560x128xi32, #tpu.memory_space<hbm>> -> memref<40x128xi32, #tpu.memory_space<hbm>>
      tpu.enqueue_dma source(%dma_start3A_76 : memref<40x128xi32, #tpu.memory_space<hbm>>) target(%arg7 : memref<40x128xi32, #tpu.memory_space<vmem>>) target_semaphore(%run_scoped3A : memref<!tpu.dma_semaphore, #tpu.memory_space<semaphore_mem>>)
      %dma_wait3A_77 = arith.constant 0 : i32
      %dma_wait3A_78 = tpu.memref_slice %arg3[%add3A_38, %dma_wait3A_77] : memref<2560x128xi32, #tpu.memory_space<hbm>> -> memref<40x128xi32, #tpu.memory_space<hbm>>
      %dma_wait3A_79 = arith.constant 0 : i32
      %dma_wait3A_80 = tpu.memref_slice %arg3[%add3A_38, %dma_wait3A_79] : memref<2560x128xi32, #tpu.memory_space<hbm>> -> memref<40x128xi32, #tpu.memory_space<hbm>>
      tpu.wait_dma2 semaphore(%run_scoped3A : memref<!tpu.dma_semaphore, #tpu.memory_space<semaphore_mem>>) src(%dma_wait3A_80 : memref<40x128xi32, #tpu.memory_space<hbm>>) dst(%arg7 : memref<40x128xi32, #tpu.memory_space<vmem>>)
      tpu.yield
    }) : () -> ()
    "tpu.region"() ({
      %run_scoped3A = tpu.sem_alloc : memref<!tpu.dma_semaphore, #tpu.memory_space<semaphore_mem>>
      %dma_start3A = arith.constant 0 : i32
      %dma_start3A_74 = tpu.memref_slice %arg4[%add3A_38, %dma_start3A] : memref<2560x128xi32, #tpu.memory_space<hbm>> -> memref<40x128xi32, #tpu.memory_space<hbm>>
      %dma_start3A_75 = arith.constant 0 : i32
      %dma_start3A_76 = tpu.memref_slice %arg4[%add3A_38, %dma_start3A_75] : memref<2560x128xi32, #tpu.memory_space<hbm>> -> memref<40x128xi32, #tpu.memory_space<hbm>>
      tpu.enqueue_dma source(%dma_start3A_76 : memref<40x128xi32, #tpu.memory_space<hbm>>) target(%arg8 : memref<40x128xi32, #tpu.memory_space<vmem>>) target_semaphore(%run_scoped3A : memref<!tpu.dma_semaphore, #tpu.memory_space<semaphore_mem>>)
      %dma_wait3A_77 = arith.constant 0 : i32
      %dma_wait3A_78 = tpu.memref_slice %arg4[%add3A_38, %dma_wait3A_77] : memref<2560x128xi32, #tpu.memory_space<hbm>> -> memref<40x128xi32, #tpu.memory_space<hbm>>
      %dma_wait3A_79 = arith.constant 0 : i32
      %dma_wait3A_80 = tpu.memref_slice %arg4[%add3A_38, %dma_wait3A_79] : memref<2560x128xi32, #tpu.memory_space<hbm>> -> memref<40x128xi32, #tpu.memory_space<hbm>>
      tpu.wait_dma2 semaphore(%run_scoped3A : memref<!tpu.dma_semaphore, #tpu.memory_space<semaphore_mem>>) src(%dma_wait3A_80 : memref<40x128xi32, #tpu.memory_space<hbm>>) dst(%arg8 : memref<40x128xi32, #tpu.memory_space<vmem>>)
      tpu.yield
    }) : () -> ()
    %scan3A_39 = arith.constant 0 : i32
    %scan3A_40 = arith.constant 0 : i32
    %scan3A_41 = arith.constant 20 : i32
    %scan3A_42 = arith.addi %scan3A_40, %scan3A_41 : i32
    %scan3A_43 = arith.constant 1 : i32
    scf.for %scan3A_74 = %scan3A_40 to %scan3A_42 step %scan3A_43  : i32 {
      %mul3A_75 = arith.constant 2 : i32
      %mul3A_76 = arith.muli %scan3A_74, %mul3A_75 : i32
      %add3A_77 = arith.constant 0 : i32
      %add3A_78 = arith.addi %mul3A_76, %add3A_77 : i32
      %ge3A = arith.constant 1 : i32
      %ge3A_79 = arith.cmpi sge, %scan3A_74, %ge3A : i32
      %convert_element_type3A = arith.extui %ge3A_79 : i1 to i32
      %cond3A = arith.constant 0 : i32
      %cond3A_80 = arith.cmpi ne, %convert_element_type3A, %cond3A : i32
      scf.if %cond3A_80 {
        %dma_wait3A_163 = arith.constant 0 : i32
        %dma_wait3A_164 = arith.constant 0 : i32
        %dma_wait3A_165 = arith.constant 0 : i32
        %dma_wait3A_166 = tpu.memref_slice %arg9[%dma_wait3A_163, %dma_wait3A_164, %dma_wait3A_165] : memref<2x128x128xf32, #tpu.memory_space<vmem>> -> memref<1x128x128xf32, #tpu.memory_space<vmem>>
        %dma_wait3A_167 = tpu.memref_squeeze %dma_wait3A_166 : memref<1x128x128xf32, #tpu.memory_space<vmem>> -> memref<128x128xf32, #tpu.memory_space<vmem>>
        %dma_wait3A_168 = arith.constant 0 : i32
        %dma_wait3A_169 = tpu.memref_slice %arg8[%add3A_78, %dma_wait3A_168] : memref<40x128xi32, #tpu.memory_space<vmem>> -> memref<1x128xi32, #tpu.memory_space<vmem>>
        %dma_wait3A_170 = tpu.memref_squeeze %dma_wait3A_169 : memref<1x128xi32, #tpu.memory_space<vmem>> -> memref<128xi32, #tpu.memory_space<vmem>>
        %dma_wait3A_171 = arith.constant 0 : i32
        %dma_wait3A_172 = arith.constant 0 : i32
        %dma_wait3A_173 = tpu.memref_slice %arg14[%dma_wait3A_171, %dma_wait3A_172] : memref<10240x128xf32, #tpu.memory_space<vmem_shared>> -> memref<10240x128xf32, #tpu.memory_space<vmem_shared>>
        tpu.wait_indirect_dma semaphore(%arg12 : memref<!tpu.dma_semaphore, #tpu.memory_space<semaphore_mem>>) src(%dma_wait3A_167 : memref<128x128xf32, #tpu.memory_space<vmem>>) dst(%dma_wait3A_173 : memref<10240x128xf32, #tpu.memory_space<vmem_shared>>)
      } else {
      }
      %dma_start3A = arith.constant 0 : i32
      %dma_start3A_81 = arith.constant 0 : i32
      %dma_start3A_82 = arith.constant 0 : i32
      %dma_start3A_83 = tpu.memref_slice %arg9[%dma_start3A, %dma_start3A_81, %dma_start3A_82] : memref<2x128x128xf32, #tpu.memory_space<vmem>> -> memref<1x128x128xf32, #tpu.memory_space<vmem>>
      %dma_start3A_84 = tpu.memref_squeeze %dma_start3A_83 : memref<1x128x128xf32, #tpu.memory_space<vmem>> -> memref<128x128xf32, #tpu.memory_space<vmem>>
      %dma_start3A_85 = arith.constant 0 : i32
      %dma_start3A_86 = tpu.memref_slice %arg7[%add3A_78, %dma_start3A_85] : memref<40x128xi32, #tpu.memory_space<vmem>> -> memref<1x128xi32, #tpu.memory_space<vmem>>
      %dma_start3A_87 = tpu.memref_squeeze %dma_start3A_86 : memref<1x128xi32, #tpu.memory_space<vmem>> -> memref<128xi32, #tpu.memory_space<vmem>>
      %dma_start3A_88 = arith.constant 0 : i32
      %dma_start3A_89 = arith.constant 0 : i32
      %dma_start3A_90 = tpu.memref_slice %arg2[%dma_start3A_88, %dma_start3A_89] : memref<10000x128xf32, #tpu.memory_space<hbm>> -> memref<10000x128xf32, #tpu.memory_space<hbm>>
      tpu.enqueue_indirect_dma source(%dma_start3A_90 : memref<10000x128xf32, #tpu.memory_space<hbm>>) target(%dma_start3A_84 : memref<128x128xf32, #tpu.memory_space<vmem>>) offsets(%dma_start3A_87 : memref<128xi32, #tpu.memory_space<vmem>>) semaphore(%arg10 : memref<!tpu.dma_semaphore, #tpu.memory_space<semaphore_mem>>)
      %mul3A_91 = arith.constant 2 : i32
      %mul3A_92 = arith.muli %scan3A_74, %mul3A_91 : i32
      %add3A_93 = arith.constant 1 : i32
      %add3A_94 = arith.addi %mul3A_92, %add3A_93 : i32
      %ge3A_95 = arith.constant 1 : i32
      %ge3A_96 = arith.cmpi sge, %scan3A_74, %ge3A_95 : i32
      %convert_element_type3A_97 = arith.extui %ge3A_96 : i1 to i32
      %cond3A_98 = arith.constant 0 : i32
      %cond3A_99 = arith.cmpi ne, %convert_element_type3A_97, %cond3A_98 : i32
      scf.if %cond3A_99 {
        %dma_wait3A_163 = arith.constant 1 : i32
        %dma_wait3A_164 = arith.constant 0 : i32
        %dma_wait3A_165 = arith.constant 0 : i32
        %dma_wait3A_166 = tpu.memref_slice %arg9[%dma_wait3A_163, %dma_wait3A_164, %dma_wait3A_165] : memref<2x128x128xf32, #tpu.memory_space<vmem>> -> memref<1x128x128xf32, #tpu.memory_space<vmem>>
        %dma_wait3A_167 = tpu.memref_squeeze %dma_wait3A_166 : memref<1x128x128xf32, #tpu.memory_space<vmem>> -> memref<128x128xf32, #tpu.memory_space<vmem>>
        %dma_wait3A_168 = arith.constant 0 : i32
        %dma_wait3A_169 = tpu.memref_slice %arg8[%add3A_94, %dma_wait3A_168] : memref<40x128xi32, #tpu.memory_space<vmem>> -> memref<1x128xi32, #tpu.memory_space<vmem>>
        %dma_wait3A_170 = tpu.memref_squeeze %dma_wait3A_169 : memref<1x128xi32, #tpu.memory_space<vmem>> -> memref<128xi32, #tpu.memory_space<vmem>>
        %dma_wait3A_171 = arith.constant 0 : i32
        %dma_wait3A_172 = arith.constant 0 : i32
        %dma_wait3A_173 = tpu.memref_slice %arg14[%dma_wait3A_171, %dma_wait3A_172] : memref<10240x128xf32, #tpu.memory_space<vmem_shared>> -> memref<10240x128xf32, #tpu.memory_space<vmem_shared>>
        tpu.wait_indirect_dma semaphore(%arg13 : memref<!tpu.dma_semaphore, #tpu.memory_space<semaphore_mem>>) src(%dma_wait3A_167 : memref<128x128xf32, #tpu.memory_space<vmem>>) dst(%dma_wait3A_173 : memref<10240x128xf32, #tpu.memory_space<vmem_shared>>)
      } else {
      }
      %dma_start3A_100 = arith.constant 1 : i32
      %dma_start3A_101 = arith.constant 0 : i32
      %dma_start3A_102 = arith.constant 0 : i32
      %dma_start3A_103 = tpu.memref_slice %arg9[%dma_start3A_100, %dma_start3A_101, %dma_start3A_102] : memref<2x128x128xf32, #tpu.memory_space<vmem>> -> memref<1x128x128xf32, #tpu.memory_space<vmem>>
      %dma_start3A_104 = tpu.memref_squeeze %dma_start3A_103 : memref<1x128x128xf32, #tpu.memory_space<vmem>> -> memref<128x128xf32, #tpu.memory_space<vmem>>
      %dma_start3A_105 = arith.constant 0 : i32
      %dma_start3A_106 = tpu.memref_slice %arg7[%add3A_94, %dma_start3A_105] : memref<40x128xi32, #tpu.memory_space<vmem>> -> memref<1x128xi32, #tpu.memory_space<vmem>>
      %dma_start3A_107 = tpu.memref_squeeze %dma_start3A_106 : memref<1x128xi32, #tpu.memory_space<vmem>> -> memref<128xi32, #tpu.memory_space<vmem>>
      %dma_start3A_108 = arith.constant 0 : i32
      %dma_start3A_109 = arith.constant 0 : i32
      %dma_start3A_110 = tpu.memref_slice %arg2[%dma_start3A_108, %dma_start3A_109] : memref<10000x128xf32, #tpu.memory_space<hbm>> -> memref<10000x128xf32, #tpu.memory_space<hbm>>
      tpu.enqueue_indirect_dma source(%dma_start3A_110 : memref<10000x128xf32, #tpu.memory_space<hbm>>) target(%dma_start3A_104 : memref<128x128xf32, #tpu.memory_space<vmem>>) offsets(%dma_start3A_107 : memref<128xi32, #tpu.memory_space<vmem>>) semaphore(%arg11 : memref<!tpu.dma_semaphore, #tpu.memory_space<semaphore_mem>>)
      %mul3A_111 = arith.constant 2 : i32
      %mul3A_112 = arith.muli %scan3A_74, %mul3A_111 : i32
      %add3A_113 = arith.constant 0 : i32
      %add3A_114 = arith.addi %mul3A_112, %add3A_113 : i32
      %dma_wait3A_115 = arith.constant 0 : i32
      %dma_wait3A_116 = arith.constant 0 : i32
      %dma_wait3A_117 = arith.constant 0 : i32
      %dma_wait3A_118 = tpu.memref_slice %arg9[%dma_wait3A_115, %dma_wait3A_116, %dma_wait3A_117] : memref<2x128x128xf32, #tpu.memory_space<vmem>> -> memref<1x128x128xf32, #tpu.memory_space<vmem>>
      %dma_wait3A_119 = tpu.memref_squeeze %dma_wait3A_118 : memref<1x128x128xf32, #tpu.memory_space<vmem>> -> memref<128x128xf32, #tpu.memory_space<vmem>>
      %dma_wait3A_120 = arith.constant 0 : i32
      %dma_wait3A_121 = tpu.memref_slice %arg7[%add3A_78, %dma_wait3A_120] : memref<40x128xi32, #tpu.memory_space<vmem>> -> memref<1x128xi32, #tpu.memory_space<vmem>>
      %dma_wait3A_122 = tpu.memref_squeeze %dma_wait3A_121 : memref<1x128xi32, #tpu.memory_space<vmem>> -> memref<128xi32, #tpu.memory_space<vmem>>
      %dma_wait3A_123 = arith.constant 0 : i32
      %dma_wait3A_124 = arith.constant 0 : i32
      %dma_wait3A_125 = tpu.memref_slice %arg2[%dma_wait3A_123, %dma_wait3A_124] : memref<10000x128xf32, #tpu.memory_space<hbm>> -> memref<10000x128xf32, #tpu.memory_space<hbm>>
      tpu.wait_indirect_dma semaphore(%arg10 : memref<!tpu.dma_semaphore, #tpu.memory_space<semaphore_mem>>) src(%dma_wait3A_125 : memref<10000x128xf32, #tpu.memory_space<hbm>>) dst(%dma_wait3A_119 : memref<128x128xf32, #tpu.memory_space<vmem>>)
      %dma_start3A_126 = arith.constant 0 : i32
      %dma_start3A_127 = arith.constant 0 : i32
      %dma_start3A_128 = arith.constant 0 : i32
      %dma_start3A_129 = tpu.memref_slice %arg9[%dma_start3A_126, %dma_start3A_127, %dma_start3A_128] : memref<2x128x128xf32, #tpu.memory_space<vmem>> -> memref<1x128x128xf32, #tpu.memory_space<vmem>>
      %dma_start3A_130 = tpu.memref_squeeze %dma_start3A_129 : memref<1x128x128xf32, #tpu.memory_space<vmem>> -> memref<128x128xf32, #tpu.memory_space<vmem>>
      %dma_start3A_131 = arith.constant 0 : i32
      %dma_start3A_132 = tpu.memref_slice %arg8[%add3A_114, %dma_start3A_131] : memref<40x128xi32, #tpu.memory_space<vmem>> -> memref<1x128xi32, #tpu.memory_space<vmem>>
      %dma_start3A_133 = tpu.memref_squeeze %dma_start3A_132 : memref<1x128xi32, #tpu.memory_space<vmem>> -> memref<128xi32, #tpu.memory_space<vmem>>
      %dma_start3A_134 = arith.constant 0 : i32
      %dma_start3A_135 = arith.constant 0 : i32
      %dma_start3A_136 = tpu.memref_slice %arg14[%dma_start3A_134, %dma_start3A_135] : memref<10240x128xf32, #tpu.memory_space<vmem_shared>> -> memref<10240x128xf32, #tpu.memory_space<vmem_shared>>
      tpu.enqueue_indirect_dma source(%dma_start3A_130 : memref<128x128xf32, #tpu.memory_space<vmem>>) target(%dma_start3A_136 : memref<10240x128xf32, #tpu.memory_space<vmem_shared>>) offsets(%dma_start3A_133 : memref<128xi32, #tpu.memory_space<vmem>>) semaphore(%arg12 : memref<!tpu.dma_semaphore, #tpu.memory_space<semaphore_mem>>) {add = true}
      %mul3A_137 = arith.constant 2 : i32
      %mul3A_138 = arith.muli %scan3A_74, %mul3A_137 : i32
      %add3A_139 = arith.constant 1 : i32
      %add3A_140 = arith.addi %mul3A_138, %add3A_139 : i32
      %dma_wait3A_141 = arith.constant 1 : i32
      %dma_wait3A_142 = arith.constant 0 : i32
      %dma_wait3A_143 = arith.constant 0 : i32
      %dma_wait3A_144 = tpu.memref_slice %arg9[%dma_wait3A_141, %dma_wait3A_142, %dma_wait3A_143] : memref<2x128x128xf32, #tpu.memory_space<vmem>> -> memref<1x128x128xf32, #tpu.memory_space<vmem>>
      %dma_wait3A_145 = tpu.memref_squeeze %dma_wait3A_144 : memref<1x128x128xf32, #tpu.memory_space<vmem>> -> memref<128x128xf32, #tpu.memory_space<vmem>>
      %dma_wait3A_146 = arith.constant 0 : i32
      %dma_wait3A_147 = tpu.memref_slice %arg7[%add3A_94, %dma_wait3A_146] : memref<40x128xi32, #tpu.memory_space<vmem>> -> memref<1x128xi32, #tpu.memory_space<vmem>>
      %dma_wait3A_148 = tpu.memref_squeeze %dma_wait3A_147 : memref<1x128xi32, #tpu.memory_space<vmem>> -> memref<128xi32, #tpu.memory_space<vmem>>
      %dma_wait3A_149 = arith.constant 0 : i32
      %dma_wait3A_150 = arith.constant 0 : i32
      %dma_wait3A_151 = tpu.memref_slice %arg2[%dma_wait3A_149, %dma_wait3A_150] : memref<10000x128xf32, #tpu.memory_space<hbm>> -> memref<10000x128xf32, #tpu.memory_space<hbm>>
      tpu.wait_indirect_dma semaphore(%arg11 : memref<!tpu.dma_semaphore, #tpu.memory_space<semaphore_mem>>) src(%dma_wait3A_151 : memref<10000x128xf32, #tpu.memory_space<hbm>>) dst(%dma_wait3A_145 : memref<128x128xf32, #tpu.memory_space<vmem>>)
      %dma_start3A_152 = arith.constant 1 : i32
      %dma_start3A_153 = arith.constant 0 : i32
      %dma_start3A_154 = arith.constant 0 : i32
      %dma_start3A_155 = tpu.memref_slice %arg9[%dma_start3A_152, %dma_start3A_153, %dma_start3A_154] : memref<2x128x128xf32, #tpu.memory_space<vmem>> -> memref<1x128x128xf32, #tpu.memory_space<vmem>>
      %dma_start3A_156 = tpu.memref_squeeze %dma_start3A_155 : memref<1x128x128xf32, #tpu.memory_space<vmem>> -> memref<128x128xf32, #tpu.memory_space<vmem>>
      %dma_start3A_157 = arith.constant 0 : i32
      %dma_start3A_158 = tpu.memref_slice %arg8[%add3A_140, %dma_start3A_157] : memref<40x128xi32, #tpu.memory_space<vmem>> -> memref<1x128xi32, #tpu.memory_space<vmem>>
      %dma_start3A_159 = tpu.memref_squeeze %dma_start3A_158 : memref<1x128xi32, #tpu.memory_space<vmem>> -> memref<128xi32, #tpu.memory_space<vmem>>
      %dma_start3A_160 = arith.constant 0 : i32
      %dma_start3A_161 = arith.constant 0 : i32
      %dma_start3A_162 = tpu.memref_slice %arg14[%dma_start3A_160, %dma_start3A_161] : memref<10240x128xf32, #tpu.memory_space<vmem_shared>> -> memref<10240x128xf32, #tpu.memory_space<vmem_shared>>
      tpu.enqueue_indirect_dma source(%dma_start3A_156 : memref<128x128xf32, #tpu.memory_space<vmem>>) target(%dma_start3A_162 : memref<10240x128xf32, #tpu.memory_space<vmem_shared>>) offsets(%dma_start3A_159 : memref<128xi32, #tpu.memory_space<vmem>>) semaphore(%arg13 : memref<!tpu.dma_semaphore, #tpu.memory_space<semaphore_mem>>) {add = true}
    }
    %scan3A_44 = arith.constant 20 : i32
    %dma_wait3A_45 = arith.constant 0 : i32
    %dma_wait3A_46 = arith.constant 0 : i32
    %dma_wait3A_47 = arith.constant 0 : i32
    %dma_wait3A_48 = arith.constant 0 : i32
    %dma_wait3A_49 = tpu.memref_slice %arg9[%dma_wait3A_45, %dma_wait3A_47, %dma_wait3A_48] : memref<2x128x128xf32, #tpu.memory_space<vmem>> -> memref<1x128x128xf32, #tpu.memory_space<vmem>>
    %dma_wait3A_50 = tpu.memref_squeeze %dma_wait3A_49 : memref<1x128x128xf32, #tpu.memory_space<vmem>> -> memref<128x128xf32, #tpu.memory_space<vmem>>
    %dma_wait3A_51 = arith.constant 0 : i32
    %dma_wait3A_52 = tpu.memref_slice %arg8[%dma_wait3A_46, %dma_wait3A_51] : memref<40x128xi32, #tpu.memory_space<vmem>> -> memref<1x128xi32, #tpu.memory_space<vmem>>
    %dma_wait3A_53 = tpu.memref_squeeze %dma_wait3A_52 : memref<1x128xi32, #tpu.memory_space<vmem>> -> memref<128xi32, #tpu.memory_space<vmem>>
    %dma_wait3A_54 = arith.constant 0 : i32
    %dma_wait3A_55 = arith.constant 0 : i32
    %dma_wait3A_56 = tpu.memref_slice %arg14[%dma_wait3A_54, %dma_wait3A_55] : memref<10240x128xf32, #tpu.memory_space<vmem_shared>> -> memref<10240x128xf32, #tpu.memory_space<vmem_shared>>
    tpu.wait_indirect_dma semaphore(%arg12 : memref<!tpu.dma_semaphore, #tpu.memory_space<semaphore_mem>>) src(%dma_wait3A_50 : memref<128x128xf32, #tpu.memory_space<vmem>>) dst(%dma_wait3A_56 : memref<10240x128xf32, #tpu.memory_space<vmem_shared>>)
    %dma_wait3A_57 = arith.constant 1 : i32
    %dma_wait3A_58 = arith.constant 1 : i32
    %dma_wait3A_59 = arith.constant 0 : i32
    %dma_wait3A_60 = arith.constant 0 : i32
    %dma_wait3A_61 = tpu.memref_slice %arg9[%dma_wait3A_57, %dma_wait3A_59, %dma_wait3A_60] : memref<2x128x128xf32, #tpu.memory_space<vmem>> -> memref<1x128x128xf32, #tpu.memory_space<vmem>>
    %dma_wait3A_62 = tpu.memref_squeeze %dma_wait3A_61 : memref<1x128x128xf32, #tpu.memory_space<vmem>> -> memref<128x128xf32, #tpu.memory_space<vmem>>
    %dma_wait3A_63 = arith.constant 0 : i32
    %dma_wait3A_64 = tpu.memref_slice %arg8[%dma_wait3A_58, %dma_wait3A_63] : memref<40x128xi32, #tpu.memory_space<vmem>> -> memref<1x128xi32, #tpu.memory_space<vmem>>
    %dma_wait3A_65 = tpu.memref_squeeze %dma_wait3A_64 : memref<1x128xi32, #tpu.memory_space<vmem>> -> memref<128xi32, #tpu.memory_space<vmem>>
    %dma_wait3A_66 = arith.constant 0 : i32
    %dma_wait3A_67 = arith.constant 0 : i32
    %dma_wait3A_68 = tpu.memref_slice %arg14[%dma_wait3A_66, %dma_wait3A_67] : memref<10240x128xf32, #tpu.memory_space<vmem_shared>> -> memref<10240x128xf32, #tpu.memory_space<vmem_shared>>
    tpu.wait_indirect_dma semaphore(%arg13 : memref<!tpu.dma_semaphore, #tpu.memory_space<semaphore_mem>>) src(%dma_wait3A_62 : memref<128x128xf32, #tpu.memory_space<vmem>>) dst(%dma_wait3A_68 : memref<10240x128xf32, #tpu.memory_space<vmem_shared>>)
    %barrier3A_69 = arith.constant 0 : index
    tpu.barrier barrier_id(%barrier3A_69)
    %mul3A_70 = arith.constant 640 : i32
    %mul3A_71 = arith.muli %arg1, %mul3A_70 : i32
    %mul3A_72 = arith.constant 640 : i32
    %mul3A_73 = arith.muli %arg1, %mul3A_72 : i32
    "tpu.region"() ({
      %run_scoped3A = tpu.sem_alloc : memref<!tpu.dma_semaphore, #tpu.memory_space<semaphore_mem>>
      %dma_start3A = arith.constant 0 : i32
      %dma_start3A_74 = tpu.memref_slice %arg6[%arg0, %mul3A_73, %dma_start3A] : memref<2x10240x128xf32, #tpu.memory_space<hbm>> -> memref<1x640x128xf32, #tpu.memory_space<hbm>>
      %dma_start3A_75 = tpu.memref_squeeze %dma_start3A_74 : memref<1x640x128xf32, #tpu.memory_space<hbm>> -> memref<640x128xf32, #tpu.memory_space<hbm>>
      %dma_start3A_76 = arith.constant 0 : i32
      %dma_start3A_77 = tpu.memref_slice %arg14[%mul3A_71, %dma_start3A_76] : memref<10240x128xf32, #tpu.memory_space<vmem_shared>> -> memref<640x128xf32, #tpu.memory_space<vmem_shared>>
      tpu.enqueue_dma source(%dma_start3A_77 : memref<640x128xf32, #tpu.memory_space<vmem_shared>>) target(%dma_start3A_75 : memref<640x128xf32, #tpu.memory_space<hbm>>) target_semaphore(%run_scoped3A : memref<!tpu.dma_semaphore, #tpu.memory_space<semaphore_mem>>)
      %dma_wait3A_78 = arith.constant 0 : i32
      %dma_wait3A_79 = tpu.memref_slice %arg6[%arg0, %mul3A_73, %dma_wait3A_78] : memref<2x10240x128xf32, #tpu.memory_space<hbm>> -> memref<1x640x128xf32, #tpu.memory_space<hbm>>
      %dma_wait3A_80 = tpu.memref_squeeze %dma_wait3A_79 : memref<1x640x128xf32, #tpu.memory_space<hbm>> -> memref<640x128xf32, #tpu.memory_space<hbm>>
      %dma_wait3A_81 = arith.constant 0 : i32
      %dma_wait3A_82 = tpu.memref_slice %arg14[%mul3A_71, %dma_wait3A_81] : memref<10240x128xf32, #tpu.memory_space<vmem_shared>> -> memref<640x128xf32, #tpu.memory_space<vmem_shared>>
      tpu.wait_dma2 semaphore(%run_scoped3A : memref<!tpu.dma_semaphore, #tpu.memory_space<semaphore_mem>>) src(%dma_wait3A_82 : memref<640x128xf32, #tpu.memory_space<vmem_shared>>) dst(%dma_wait3A_80 : memref<640x128xf32, #tpu.memory_space<hbm>>)
      tpu.yield
    }) : () -> ()
    return
  }
}

#map = affine_map<(d0, d1) -> (0, 0)>
#map1 = affine_map<(d0, d1) -> (0, 0, 0)>
module attributes {stable_mosaic.version = 14 : i64} {
  func.func @_edge_body(%arg0: i32, %arg1: i32, %arg2: memref<10000x128xf32, #tpu.memory_space<hbm>>, %arg3: memref<2560x128xi32, #tpu.memory_space<hbm>>, %arg4: memref<2560x128xi32, #tpu.memory_space<hbm>>, %arg5: memref<10240x128xf32, #tpu.memory_space<hbm>>, %arg6: memref<2x10240x128xf32, #tpu.memory_space<hbm>>, %arg7: memref<40x128xi32, #tpu.memory_space<vmem>>, %arg8: memref<40x128xi32, #tpu.memory_space<vmem>>, %arg9: memref<2x128x128xf32, #tpu.memory_space<vmem>>, %arg10: memref<!tpu.dma_semaphore, #tpu.memory_space<semaphore_mem>>, %arg11: memref<!tpu.dma_semaphore, #tpu.memory_space<semaphore_mem>>, %arg12: memref<!tpu.dma_semaphore, #tpu.memory_space<semaphore_mem>>, %arg13: memref<!tpu.dma_semaphore, #tpu.memory_space<semaphore_mem>>, %arg14: memref<10240x128xf32, #tpu.memory_space<vmem_shared>>) attributes {dimension_semantics = [#tpu.dimension_semantics<core_parallel>, #tpu.dimension_semantics<subcore_parallel>], iteration_bounds = array<i64: 2, 16>, scalar_prefetch = 0 : i64, scratch_operands = 8 : i64, tpu.core_type = #tpu.core_type<sc_vector_subcore>, window_params = [{transform_indices = #map}, {transform_indices = #map}, {transform_indices = #map}, {transform_indices = #map}, {transform_indices = #map1}]} {
    %mul3A = arith.constant 640 : i32
    %mul3A_0 = arith.muli %arg1, %mul3A : i32
    %mul3A_1 = arith.constant 640 : i32
    %mul3A_2 = arith.muli %arg1, %mul3A_1 : i32
    "tpu.region"() ({
      %run_scoped3A = tpu.sem_alloc : memref<!tpu.dma_semaphore, #tpu.memory_space<semaphore_mem>>
      %dma_start3A = arith.constant 0 : i32
      %dma_start3A_74 = tpu.memref_slice %arg14[%mul3A_2, %dma_start3A] : memref<10240x128xf32, #tpu.memory_space<vmem_shared>> -> memref<640x128xf32, #tpu.memory_space<vmem_shared>>
      %dma_start3A_75 = arith.constant 0 : i32
      %dma_start3A_76 = tpu.memref_slice %arg5[%mul3A_0, %dma_start3A_75] : memref<10240x128xf32, #tpu.memory_space<hbm>> -> memref<640x128xf32, #tpu.memory_space<hbm>>
      tpu.enqueue_dma source(%dma_start3A_76 : memref<640x128xf32, #tpu.memory_space<hbm>>) target(%dma_start3A_74 : memref<640x128xf32, #tpu.memory_space<vmem_shared>>) target_semaphore(%run_scoped3A : memref<!tpu.dma_semaphore, #tpu.memory_space<semaphore_mem>>)
      %dma_wait3A_77 = arith.constant 0 : i32
      %dma_wait3A_78 = tpu.memref_slice %arg14[%mul3A_2, %dma_wait3A_77] : memref<10240x128xf32, #tpu.memory_space<vmem_shared>> -> memref<640x128xf32, #tpu.memory_space<vmem_shared>>
      %dma_wait3A_79 = arith.constant 0 : i32
      %dma_wait3A_80 = tpu.memref_slice %arg5[%mul3A_0, %dma_wait3A_79] : memref<10240x128xf32, #tpu.memory_space<hbm>> -> memref<640x128xf32, #tpu.memory_space<hbm>>
      tpu.wait_dma2 semaphore(%run_scoped3A : memref<!tpu.dma_semaphore, #tpu.memory_space<semaphore_mem>>) src(%dma_wait3A_80 : memref<640x128xf32, #tpu.memory_space<hbm>>) dst(%dma_wait3A_78 : memref<640x128xf32, #tpu.memory_space<vmem_shared>>)
      tpu.yield
    }) : () -> ()
    %mul3A_3 = arith.constant 16 : i32
    %mul3A_4 = arith.muli %arg0, %mul3A_3 : i32
    %add3A = arith.addi %mul3A_4, %arg1 : i32
    %mul3A_5 = arith.constant 80 : i32
    %mul3A_6 = arith.muli %add3A, %mul3A_5 : i32
    %barrier3A = arith.constant 0 : index
    tpu.barrier barrier_id(%barrier3A)
    %add3A_7 = arith.constant 0 : i32
    %add3A_8 = arith.addi %mul3A_6, %add3A_7 : i32
    "tpu.region"() ({
      %run_scoped3A = tpu.sem_alloc : memref<!tpu.dma_semaphore, #tpu.memory_space<semaphore_mem>>
      %dma_start3A = arith.constant 0 : i32
      %dma_start3A_74 = tpu.memref_slice %arg3[%add3A_8, %dma_start3A] : memref<2560x128xi32, #tpu.memory_space<hbm>> -> memref<40x128xi32, #tpu.memory_space<hbm>>
      %dma_start3A_75 = arith.constant 0 : i32
      %dma_start3A_76 = tpu.memref_slice %arg3[%add3A_8, %dma_start3A_75] : memref<2560x128xi32, #tpu.memory_space<hbm>> -> memref<40x128xi32, #tpu.memory_space<hbm>>
      tpu.enqueue_dma source(%dma_start3A_76 : memref<40x128xi32, #tpu.memory_space<hbm>>) target(%arg7 : memref<40x128xi32, #tpu.memory_space<vmem>>) target_semaphore(%run_scoped3A : memref<!tpu.dma_semaphore, #tpu.memory_space<semaphore_mem>>)
      %dma_wait3A_77 = arith.constant 0 : i32
      %dma_wait3A_78 = tpu.memref_slice %arg3[%add3A_8, %dma_wait3A_77] : memref<2560x128xi32, #tpu.memory_space<hbm>> -> memref<40x128xi32, #tpu.memory_space<hbm>>
      %dma_wait3A_79 = arith.constant 0 : i32
      %dma_wait3A_80 = tpu.memref_slice %arg3[%add3A_8, %dma_wait3A_79] : memref<2560x128xi32, #tpu.memory_space<hbm>> -> memref<40x128xi32, #tpu.memory_space<hbm>>
      tpu.wait_dma2 semaphore(%run_scoped3A : memref<!tpu.dma_semaphore, #tpu.memory_space<semaphore_mem>>) src(%dma_wait3A_80 : memref<40x128xi32, #tpu.memory_space<hbm>>) dst(%arg7 : memref<40x128xi32, #tpu.memory_space<vmem>>)
      tpu.yield
    }) : () -> ()
    "tpu.region"() ({
      %run_scoped3A = tpu.sem_alloc : memref<!tpu.dma_semaphore, #tpu.memory_space<semaphore_mem>>
      %dma_start3A = arith.constant 0 : i32
      %dma_start3A_74 = tpu.memref_slice %arg4[%add3A_8, %dma_start3A] : memref<2560x128xi32, #tpu.memory_space<hbm>> -> memref<40x128xi32, #tpu.memory_space<hbm>>
      %dma_start3A_75 = arith.constant 0 : i32
      %dma_start3A_76 = tpu.memref_slice %arg4[%add3A_8, %dma_start3A_75] : memref<2560x128xi32, #tpu.memory_space<hbm>> -> memref<40x128xi32, #tpu.memory_space<hbm>>
      tpu.enqueue_dma source(%dma_start3A_76 : memref<40x128xi32, #tpu.memory_space<hbm>>) target(%arg8 : memref<40x128xi32, #tpu.memory_space<vmem>>) target_semaphore(%run_scoped3A : memref<!tpu.dma_semaphore, #tpu.memory_space<semaphore_mem>>)
      %dma_wait3A_77 = arith.constant 0 : i32
      %dma_wait3A_78 = tpu.memref_slice %arg4[%add3A_8, %dma_wait3A_77] : memref<2560x128xi32, #tpu.memory_space<hbm>> -> memref<40x128xi32, #tpu.memory_space<hbm>>
      %dma_wait3A_79 = arith.constant 0 : i32
      %dma_wait3A_80 = tpu.memref_slice %arg4[%add3A_8, %dma_wait3A_79] : memref<2560x128xi32, #tpu.memory_space<hbm>> -> memref<40x128xi32, #tpu.memory_space<hbm>>
      tpu.wait_dma2 semaphore(%run_scoped3A : memref<!tpu.dma_semaphore, #tpu.memory_space<semaphore_mem>>) src(%dma_wait3A_80 : memref<40x128xi32, #tpu.memory_space<hbm>>) dst(%arg8 : memref<40x128xi32, #tpu.memory_space<vmem>>)
      tpu.yield
    }) : () -> ()
    %scan3A = arith.constant 0 : i32
    %scan3A_9 = arith.constant 0 : i32
    %scan3A_10 = arith.constant 20 : i32
    %scan3A_11 = arith.addi %scan3A_9, %scan3A_10 : i32
    %scan3A_12 = arith.constant 1 : i32
    scf.for %scan3A_74 = %scan3A_9 to %scan3A_11 step %scan3A_12  : i32 {
      %mul3A_75 = arith.constant 2 : i32
      %mul3A_76 = arith.muli %scan3A_74, %mul3A_75 : i32
      %add3A_77 = arith.constant 0 : i32
      %add3A_78 = arith.addi %mul3A_76, %add3A_77 : i32
      %ge3A = arith.constant 1 : i32
      %ge3A_79 = arith.cmpi sge, %scan3A_74, %ge3A : i32
      %convert_element_type3A = arith.extui %ge3A_79 : i1 to i32
      %cond3A = arith.constant 0 : i32
      %cond3A_80 = arith.cmpi ne, %convert_element_type3A, %cond3A : i32
      scf.if %cond3A_80 {
        %dma_wait3A_163 = arith.constant 0 : i32
        %dma_wait3A_164 = arith.constant 0 : i32
        %dma_wait3A_165 = arith.constant 0 : i32
        %dma_wait3A_166 = tpu.memref_slice %arg9[%dma_wait3A_163, %dma_wait3A_164, %dma_wait3A_165] : memref<2x128x128xf32, #tpu.memory_space<vmem>> -> memref<1x128x128xf32, #tpu.memory_space<vmem>>
        %dma_wait3A_167 = tpu.memref_squeeze %dma_wait3A_166 : memref<1x128x128xf32, #tpu.memory_space<vmem>> -> memref<128x128xf32, #tpu.memory_space<vmem>>
        %dma_wait3A_168 = arith.constant 0 : i32
        %dma_wait3A_169 = tpu.memref_slice %arg8[%add3A_78, %dma_wait3A_168] : memref<40x128xi32, #tpu.memory_space<vmem>> -> memref<1x128xi32, #tpu.memory_space<vmem>>
        %dma_wait3A_170 = tpu.memref_squeeze %dma_wait3A_169 : memref<1x128xi32, #tpu.memory_space<vmem>> -> memref<128xi32, #tpu.memory_space<vmem>>
        %dma_wait3A_171 = arith.constant 0 : i32
        %dma_wait3A_172 = arith.constant 0 : i32
        %dma_wait3A_173 = tpu.memref_slice %arg14[%dma_wait3A_171, %dma_wait3A_172] : memref<10240x128xf32, #tpu.memory_space<vmem_shared>> -> memref<10240x128xf32, #tpu.memory_space<vmem_shared>>
        tpu.wait_indirect_dma semaphore(%arg12 : memref<!tpu.dma_semaphore, #tpu.memory_space<semaphore_mem>>) src(%dma_wait3A_167 : memref<128x128xf32, #tpu.memory_space<vmem>>) dst(%dma_wait3A_173 : memref<10240x128xf32, #tpu.memory_space<vmem_shared>>)
      } else {
      }
      %dma_start3A = arith.constant 0 : i32
      %dma_start3A_81 = arith.constant 0 : i32
      %dma_start3A_82 = arith.constant 0 : i32
      %dma_start3A_83 = tpu.memref_slice %arg9[%dma_start3A, %dma_start3A_81, %dma_start3A_82] : memref<2x128x128xf32, #tpu.memory_space<vmem>> -> memref<1x128x128xf32, #tpu.memory_space<vmem>>
      %dma_start3A_84 = tpu.memref_squeeze %dma_start3A_83 : memref<1x128x128xf32, #tpu.memory_space<vmem>> -> memref<128x128xf32, #tpu.memory_space<vmem>>
      %dma_start3A_85 = arith.constant 0 : i32
      %dma_start3A_86 = tpu.memref_slice %arg7[%add3A_78, %dma_start3A_85] : memref<40x128xi32, #tpu.memory_space<vmem>> -> memref<1x128xi32, #tpu.memory_space<vmem>>
      %dma_start3A_87 = tpu.memref_squeeze %dma_start3A_86 : memref<1x128xi32, #tpu.memory_space<vmem>> -> memref<128xi32, #tpu.memory_space<vmem>>
      %dma_start3A_88 = arith.constant 0 : i32
      %dma_start3A_89 = arith.constant 0 : i32
      %dma_start3A_90 = tpu.memref_slice %arg2[%dma_start3A_88, %dma_start3A_89] : memref<10000x128xf32, #tpu.memory_space<hbm>> -> memref<10000x128xf32, #tpu.memory_space<hbm>>
      tpu.enqueue_indirect_dma source(%dma_start3A_90 : memref<10000x128xf32, #tpu.memory_space<hbm>>) target(%dma_start3A_84 : memref<128x128xf32, #tpu.memory_space<vmem>>) offsets(%dma_start3A_87 : memref<128xi32, #tpu.memory_space<vmem>>) semaphore(%arg10 : memref<!tpu.dma_semaphore, #tpu.memory_space<semaphore_mem>>)
      %mul3A_91 = arith.constant 2 : i32
      %mul3A_92 = arith.muli %scan3A_74, %mul3A_91 : i32
      %add3A_93 = arith.constant 1 : i32
      %add3A_94 = arith.addi %mul3A_92, %add3A_93 : i32
      %ge3A_95 = arith.constant 1 : i32
      %ge3A_96 = arith.cmpi sge, %scan3A_74, %ge3A_95 : i32
      %convert_element_type3A_97 = arith.extui %ge3A_96 : i1 to i32
      %cond3A_98 = arith.constant 0 : i32
      %cond3A_99 = arith.cmpi ne, %convert_element_type3A_97, %cond3A_98 : i32
      scf.if %cond3A_99 {
        %dma_wait3A_163 = arith.constant 1 : i32
        %dma_wait3A_164 = arith.constant 0 : i32
        %dma_wait3A_165 = arith.constant 0 : i32
        %dma_wait3A_166 = tpu.memref_slice %arg9[%dma_wait3A_163, %dma_wait3A_164, %dma_wait3A_165] : memref<2x128x128xf32, #tpu.memory_space<vmem>> -> memref<1x128x128xf32, #tpu.memory_space<vmem>>
        %dma_wait3A_167 = tpu.memref_squeeze %dma_wait3A_166 : memref<1x128x128xf32, #tpu.memory_space<vmem>> -> memref<128x128xf32, #tpu.memory_space<vmem>>
        %dma_wait3A_168 = arith.constant 0 : i32
        %dma_wait3A_169 = tpu.memref_slice %arg8[%add3A_94, %dma_wait3A_168] : memref<40x128xi32, #tpu.memory_space<vmem>> -> memref<1x128xi32, #tpu.memory_space<vmem>>
        %dma_wait3A_170 = tpu.memref_squeeze %dma_wait3A_169 : memref<1x128xi32, #tpu.memory_space<vmem>> -> memref<128xi32, #tpu.memory_space<vmem>>
        %dma_wait3A_171 = arith.constant 0 : i32
        %dma_wait3A_172 = arith.constant 0 : i32
        %dma_wait3A_173 = tpu.memref_slice %arg14[%dma_wait3A_171, %dma_wait3A_172] : memref<10240x128xf32, #tpu.memory_space<vmem_shared>> -> memref<10240x128xf32, #tpu.memory_space<vmem_shared>>
        tpu.wait_indirect_dma semaphore(%arg13 : memref<!tpu.dma_semaphore, #tpu.memory_space<semaphore_mem>>) src(%dma_wait3A_167 : memref<128x128xf32, #tpu.memory_space<vmem>>) dst(%dma_wait3A_173 : memref<10240x128xf32, #tpu.memory_space<vmem_shared>>)
      } else {
      }
      %dma_start3A_100 = arith.constant 1 : i32
      %dma_start3A_101 = arith.constant 0 : i32
      %dma_start3A_102 = arith.constant 0 : i32
      %dma_start3A_103 = tpu.memref_slice %arg9[%dma_start3A_100, %dma_start3A_101, %dma_start3A_102] : memref<2x128x128xf32, #tpu.memory_space<vmem>> -> memref<1x128x128xf32, #tpu.memory_space<vmem>>
      %dma_start3A_104 = tpu.memref_squeeze %dma_start3A_103 : memref<1x128x128xf32, #tpu.memory_space<vmem>> -> memref<128x128xf32, #tpu.memory_space<vmem>>
      %dma_start3A_105 = arith.constant 0 : i32
      %dma_start3A_106 = tpu.memref_slice %arg7[%add3A_94, %dma_start3A_105] : memref<40x128xi32, #tpu.memory_space<vmem>> -> memref<1x128xi32, #tpu.memory_space<vmem>>
      %dma_start3A_107 = tpu.memref_squeeze %dma_start3A_106 : memref<1x128xi32, #tpu.memory_space<vmem>> -> memref<128xi32, #tpu.memory_space<vmem>>
      %dma_start3A_108 = arith.constant 0 : i32
      %dma_start3A_109 = arith.constant 0 : i32
      %dma_start3A_110 = tpu.memref_slice %arg2[%dma_start3A_108, %dma_start3A_109] : memref<10000x128xf32, #tpu.memory_space<hbm>> -> memref<10000x128xf32, #tpu.memory_space<hbm>>
      tpu.enqueue_indirect_dma source(%dma_start3A_110 : memref<10000x128xf32, #tpu.memory_space<hbm>>) target(%dma_start3A_104 : memref<128x128xf32, #tpu.memory_space<vmem>>) offsets(%dma_start3A_107 : memref<128xi32, #tpu.memory_space<vmem>>) semaphore(%arg11 : memref<!tpu.dma_semaphore, #tpu.memory_space<semaphore_mem>>)
      %mul3A_111 = arith.constant 2 : i32
      %mul3A_112 = arith.muli %scan3A_74, %mul3A_111 : i32
      %add3A_113 = arith.constant 0 : i32
      %add3A_114 = arith.addi %mul3A_112, %add3A_113 : i32
      %dma_wait3A_115 = arith.constant 0 : i32
      %dma_wait3A_116 = arith.constant 0 : i32
      %dma_wait3A_117 = arith.constant 0 : i32
      %dma_wait3A_118 = tpu.memref_slice %arg9[%dma_wait3A_115, %dma_wait3A_116, %dma_wait3A_117] : memref<2x128x128xf32, #tpu.memory_space<vmem>> -> memref<1x128x128xf32, #tpu.memory_space<vmem>>
      %dma_wait3A_119 = tpu.memref_squeeze %dma_wait3A_118 : memref<1x128x128xf32, #tpu.memory_space<vmem>> -> memref<128x128xf32, #tpu.memory_space<vmem>>
      %dma_wait3A_120 = arith.constant 0 : i32
      %dma_wait3A_121 = tpu.memref_slice %arg7[%add3A_78, %dma_wait3A_120] : memref<40x128xi32, #tpu.memory_space<vmem>> -> memref<1x128xi32, #tpu.memory_space<vmem>>
      %dma_wait3A_122 = tpu.memref_squeeze %dma_wait3A_121 : memref<1x128xi32, #tpu.memory_space<vmem>> -> memref<128xi32, #tpu.memory_space<vmem>>
      %dma_wait3A_123 = arith.constant 0 : i32
      %dma_wait3A_124 = arith.constant 0 : i32
      %dma_wait3A_125 = tpu.memref_slice %arg2[%dma_wait3A_123, %dma_wait3A_124] : memref<10000x128xf32, #tpu.memory_space<hbm>> -> memref<10000x128xf32, #tpu.memory_space<hbm>>
      tpu.wait_indirect_dma semaphore(%arg10 : memref<!tpu.dma_semaphore, #tpu.memory_space<semaphore_mem>>) src(%dma_wait3A_125 : memref<10000x128xf32, #tpu.memory_space<hbm>>) dst(%dma_wait3A_119 : memref<128x128xf32, #tpu.memory_space<vmem>>)
      %dma_start3A_126 = arith.constant 0 : i32
      %dma_start3A_127 = arith.constant 0 : i32
      %dma_start3A_128 = arith.constant 0 : i32
      %dma_start3A_129 = tpu.memref_slice %arg9[%dma_start3A_126, %dma_start3A_127, %dma_start3A_128] : memref<2x128x128xf32, #tpu.memory_space<vmem>> -> memref<1x128x128xf32, #tpu.memory_space<vmem>>
      %dma_start3A_130 = tpu.memref_squeeze %dma_start3A_129 : memref<1x128x128xf32, #tpu.memory_space<vmem>> -> memref<128x128xf32, #tpu.memory_space<vmem>>
      %dma_start3A_131 = arith.constant 0 : i32
      %dma_start3A_132 = tpu.memref_slice %arg8[%add3A_114, %dma_start3A_131] : memref<40x128xi32, #tpu.memory_space<vmem>> -> memref<1x128xi32, #tpu.memory_space<vmem>>
      %dma_start3A_133 = tpu.memref_squeeze %dma_start3A_132 : memref<1x128xi32, #tpu.memory_space<vmem>> -> memref<128xi32, #tpu.memory_space<vmem>>
      %dma_start3A_134 = arith.constant 0 : i32
      %dma_start3A_135 = arith.constant 0 : i32
      %dma_start3A_136 = tpu.memref_slice %arg14[%dma_start3A_134, %dma_start3A_135] : memref<10240x128xf32, #tpu.memory_space<vmem_shared>> -> memref<10240x128xf32, #tpu.memory_space<vmem_shared>>
      tpu.enqueue_indirect_dma source(%dma_start3A_130 : memref<128x128xf32, #tpu.memory_space<vmem>>) target(%dma_start3A_136 : memref<10240x128xf32, #tpu.memory_space<vmem_shared>>) offsets(%dma_start3A_133 : memref<128xi32, #tpu.memory_space<vmem>>) semaphore(%arg12 : memref<!tpu.dma_semaphore, #tpu.memory_space<semaphore_mem>>) {add = true}
      %mul3A_137 = arith.constant 2 : i32
      %mul3A_138 = arith.muli %scan3A_74, %mul3A_137 : i32
      %add3A_139 = arith.constant 1 : i32
      %add3A_140 = arith.addi %mul3A_138, %add3A_139 : i32
      %dma_wait3A_141 = arith.constant 1 : i32
      %dma_wait3A_142 = arith.constant 0 : i32
      %dma_wait3A_143 = arith.constant 0 : i32
      %dma_wait3A_144 = tpu.memref_slice %arg9[%dma_wait3A_141, %dma_wait3A_142, %dma_wait3A_143] : memref<2x128x128xf32, #tpu.memory_space<vmem>> -> memref<1x128x128xf32, #tpu.memory_space<vmem>>
      %dma_wait3A_145 = tpu.memref_squeeze %dma_wait3A_144 : memref<1x128x128xf32, #tpu.memory_space<vmem>> -> memref<128x128xf32, #tpu.memory_space<vmem>>
      %dma_wait3A_146 = arith.constant 0 : i32
      %dma_wait3A_147 = tpu.memref_slice %arg7[%add3A_94, %dma_wait3A_146] : memref<40x128xi32, #tpu.memory_space<vmem>> -> memref<1x128xi32, #tpu.memory_space<vmem>>
      %dma_wait3A_148 = tpu.memref_squeeze %dma_wait3A_147 : memref<1x128xi32, #tpu.memory_space<vmem>> -> memref<128xi32, #tpu.memory_space<vmem>>
      %dma_wait3A_149 = arith.constant 0 : i32
      %dma_wait3A_150 = arith.constant 0 : i32
      %dma_wait3A_151 = tpu.memref_slice %arg2[%dma_wait3A_149, %dma_wait3A_150] : memref<10000x128xf32, #tpu.memory_space<hbm>> -> memref<10000x128xf32, #tpu.memory_space<hbm>>
      tpu.wait_indirect_dma semaphore(%arg11 : memref<!tpu.dma_semaphore, #tpu.memory_space<semaphore_mem>>) src(%dma_wait3A_151 : memref<10000x128xf32, #tpu.memory_space<hbm>>) dst(%dma_wait3A_145 : memref<128x128xf32, #tpu.memory_space<vmem>>)
      %dma_start3A_152 = arith.constant 1 : i32
      %dma_start3A_153 = arith.constant 0 : i32
      %dma_start3A_154 = arith.constant 0 : i32
      %dma_start3A_155 = tpu.memref_slice %arg9[%dma_start3A_152, %dma_start3A_153, %dma_start3A_154] : memref<2x128x128xf32, #tpu.memory_space<vmem>> -> memref<1x128x128xf32, #tpu.memory_space<vmem>>
      %dma_start3A_156 = tpu.memref_squeeze %dma_start3A_155 : memref<1x128x128xf32, #tpu.memory_space<vmem>> -> memref<128x128xf32, #tpu.memory_space<vmem>>
      %dma_start3A_157 = arith.constant 0 : i32
      %dma_start3A_158 = tpu.memref_slice %arg8[%add3A_140, %dma_start3A_157] : memref<40x128xi32, #tpu.memory_space<vmem>> -> memref<1x128xi32, #tpu.memory_space<vmem>>
      %dma_start3A_159 = tpu.memref_squeeze %dma_start3A_158 : memref<1x128xi32, #tpu.memory_space<vmem>> -> memref<128xi32, #tpu.memory_space<vmem>>
      %dma_start3A_160 = arith.constant 0 : i32
      %dma_start3A_161 = arith.constant 0 : i32
      %dma_start3A_162 = tpu.memref_slice %arg14[%dma_start3A_160, %dma_start3A_161] : memref<10240x128xf32, #tpu.memory_space<vmem_shared>> -> memref<10240x128xf32, #tpu.memory_space<vmem_shared>>
      tpu.enqueue_indirect_dma source(%dma_start3A_156 : memref<128x128xf32, #tpu.memory_space<vmem>>) target(%dma_start3A_162 : memref<10240x128xf32, #tpu.memory_space<vmem_shared>>) offsets(%dma_start3A_159 : memref<128xi32, #tpu.memory_space<vmem>>) semaphore(%arg13 : memref<!tpu.dma_semaphore, #tpu.memory_space<semaphore_mem>>) {add = true}
    }
    %scan3A_13 = arith.constant 20 : i32
    %dma_wait3A = arith.constant 0 : i32
    %dma_wait3A_14 = arith.constant 0 : i32
    %dma_wait3A_15 = arith.constant 0 : i32
    %dma_wait3A_16 = arith.constant 0 : i32
    %dma_wait3A_17 = tpu.memref_slice %arg9[%dma_wait3A, %dma_wait3A_15, %dma_wait3A_16] : memref<2x128x128xf32, #tpu.memory_space<vmem>> -> memref<1x128x128xf32, #tpu.memory_space<vmem>>
    %dma_wait3A_18 = tpu.memref_squeeze %dma_wait3A_17 : memref<1x128x128xf32, #tpu.memory_space<vmem>> -> memref<128x128xf32, #tpu.memory_space<vmem>>
    %dma_wait3A_19 = arith.constant 0 : i32
    %dma_wait3A_20 = tpu.memref_slice %arg8[%dma_wait3A_14, %dma_wait3A_19] : memref<40x128xi32, #tpu.memory_space<vmem>> -> memref<1x128xi32, #tpu.memory_space<vmem>>
    %dma_wait3A_21 = tpu.memref_squeeze %dma_wait3A_20 : memref<1x128xi32, #tpu.memory_space<vmem>> -> memref<128xi32, #tpu.memory_space<vmem>>
    %dma_wait3A_22 = arith.constant 0 : i32
    %dma_wait3A_23 = arith.constant 0 : i32
    %dma_wait3A_24 = tpu.memref_slice %arg14[%dma_wait3A_22, %dma_wait3A_23] : memref<10240x128xf32, #tpu.memory_space<vmem_shared>> -> memref<10240x128xf32, #tpu.memory_space<vmem_shared>>
    tpu.wait_indirect_dma semaphore(%arg12 : memref<!tpu.dma_semaphore, #tpu.memory_space<semaphore_mem>>) src(%dma_wait3A_18 : memref<128x128xf32, #tpu.memory_space<vmem>>) dst(%dma_wait3A_24 : memref<10240x128xf32, #tpu.memory_space<vmem_shared>>)
    %dma_wait3A_25 = arith.constant 1 : i32
    %dma_wait3A_26 = arith.constant 0 : i32
    %dma_wait3A_27 = arith.constant 0 : i32
    %dma_wait3A_28 = arith.constant 0 : i32
    %dma_wait3A_29 = tpu.memref_slice %arg9[%dma_wait3A_25, %dma_wait3A_27, %dma_wait3A_28] : memref<2x128x128xf32, #tpu.memory_space<vmem>> -> memref<1x128x128xf32, #tpu.memory_space<vmem>>
    %dma_wait3A_30 = tpu.memref_squeeze %dma_wait3A_29 : memref<1x128x128xf32, #tpu.memory_space<vmem>> -> memref<128x128xf32, #tpu.memory_space<vmem>>
    %dma_wait3A_31 = arith.constant 0 : i32
    %dma_wait3A_32 = tpu.memref_slice %arg8[%dma_wait3A_26, %dma_wait3A_31] : memref<40x128xi32, #tpu.memory_space<vmem>> -> memref<1x128xi32, #tpu.memory_space<vmem>>
    %dma_wait3A_33 = tpu.memref_squeeze %dma_wait3A_32 : memref<1x128xi32, #tpu.memory_space<vmem>> -> memref<128xi32, #tpu.memory_space<vmem>>
    %dma_wait3A_34 = arith.constant 0 : i32
    %dma_wait3A_35 = arith.constant 0 : i32
    %dma_wait3A_36 = tpu.memref_slice %arg14[%dma_wait3A_34, %dma_wait3A_35] : memref<10240x128xf32, #tpu.memory_space<vmem_shared>> -> memref<10240x128xf32, #tpu.memory_space<vmem_shared>>
    tpu.wait_indirect_dma semaphore(%arg13 : memref<!tpu.dma_semaphore, #tpu.memory_space<semaphore_mem>>) src(%dma_wait3A_30 : memref<128x128xf32, #tpu.memory_space<vmem>>) dst(%dma_wait3A_36 : memref<10240x128xf32, #tpu.memory_space<vmem_shared>>)
    %add3A_37 = arith.constant 40 : i32
    %add3A_38 = arith.addi %mul3A_6, %add3A_37 : i32
    "tpu.region"() ({
      %run_scoped3A = tpu.sem_alloc : memref<!tpu.dma_semaphore, #tpu.memory_space<semaphore_mem>>
      %dma_start3A = arith.constant 0 : i32
      %dma_start3A_74 = tpu.memref_slice %arg3[%add3A_38, %dma_start3A] : memref<2560x128xi32, #tpu.memory_space<hbm>> -> memref<40x128xi32, #tpu.memory_space<hbm>>
      %dma_start3A_75 = arith.constant 0 : i32
      %dma_start3A_76 = tpu.memref_slice %arg3[%add3A_38, %dma_start3A_75] : memref<2560x128xi32, #tpu.memory_space<hbm>> -> memref<40x128xi32, #tpu.memory_space<hbm>>
      tpu.enqueue_dma source(%dma_start3A_76 : memref<40x128xi32, #tpu.memory_space<hbm>>) target(%arg7 : memref<40x128xi32, #tpu.memory_space<vmem>>) target_semaphore(%run_scoped3A : memref<!tpu.dma_semaphore, #tpu.memory_space<semaphore_mem>>)
      %dma_wait3A_77 = arith.constant 0 : i32
      %dma_wait3A_78 = tpu.memref_slice %arg3[%add3A_38, %dma_wait3A_77] : memref<2560x128xi32, #tpu.memory_space<hbm>> -> memref<40x128xi32, #tpu.memory_space<hbm>>
      %dma_wait3A_79 = arith.constant 0 : i32
      %dma_wait3A_80 = tpu.memref_slice %arg3[%add3A_38, %dma_wait3A_79] : memref<2560x128xi32, #tpu.memory_space<hbm>> -> memref<40x128xi32, #tpu.memory_space<hbm>>
      tpu.wait_dma2 semaphore(%run_scoped3A : memref<!tpu.dma_semaphore, #tpu.memory_space<semaphore_mem>>) src(%dma_wait3A_80 : memref<40x128xi32, #tpu.memory_space<hbm>>) dst(%arg7 : memref<40x128xi32, #tpu.memory_space<vmem>>)
      tpu.yield
    }) : () -> ()
    "tpu.region"() ({
      %run_scoped3A = tpu.sem_alloc : memref<!tpu.dma_semaphore, #tpu.memory_space<semaphore_mem>>
      %dma_start3A = arith.constant 0 : i32
      %dma_start3A_74 = tpu.memref_slice %arg4[%add3A_38, %dma_start3A] : memref<2560x128xi32, #tpu.memory_space<hbm>> -> memref<40x128xi32, #tpu.memory_space<hbm>>
      %dma_start3A_75 = arith.constant 0 : i32
      %dma_start3A_76 = tpu.memref_slice %arg4[%add3A_38, %dma_start3A_75] : memref<2560x128xi32, #tpu.memory_space<hbm>> -> memref<40x128xi32, #tpu.memory_space<hbm>>
      tpu.enqueue_dma source(%dma_start3A_76 : memref<40x128xi32, #tpu.memory_space<hbm>>) target(%arg8 : memref<40x128xi32, #tpu.memory_space<vmem>>) target_semaphore(%run_scoped3A : memref<!tpu.dma_semaphore, #tpu.memory_space<semaphore_mem>>)
      %dma_wait3A_77 = arith.constant 0 : i32
      %dma_wait3A_78 = tpu.memref_slice %arg4[%add3A_38, %dma_wait3A_77] : memref<2560x128xi32, #tpu.memory_space<hbm>> -> memref<40x128xi32, #tpu.memory_space<hbm>>
      %dma_wait3A_79 = arith.constant 0 : i32
      %dma_wait3A_80 = tpu.memref_slice %arg4[%add3A_38, %dma_wait3A_79] : memref<2560x128xi32, #tpu.memory_space<hbm>> -> memref<40x128xi32, #tpu.memory_space<hbm>>
      tpu.wait_dma2 semaphore(%run_scoped3A : memref<!tpu.dma_semaphore, #tpu.memory_space<semaphore_mem>>) src(%dma_wait3A_80 : memref<40x128xi32, #tpu.memory_space<hbm>>) dst(%arg8 : memref<40x128xi32, #tpu.memory_space<vmem>>)
      tpu.yield
    }) : () -> ()
    %scan3A_39 = arith.constant 0 : i32
    %scan3A_40 = arith.constant 0 : i32
    %scan3A_41 = arith.constant 20 : i32
    %scan3A_42 = arith.addi %scan3A_40, %scan3A_41 : i32
    %scan3A_43 = arith.constant 1 : i32
    scf.for %scan3A_74 = %scan3A_40 to %scan3A_42 step %scan3A_43  : i32 {
      %mul3A_75 = arith.constant 2 : i32
      %mul3A_76 = arith.muli %scan3A_74, %mul3A_75 : i32
      %add3A_77 = arith.constant 0 : i32
      %add3A_78 = arith.addi %mul3A_76, %add3A_77 : i32
      %ge3A = arith.constant 1 : i32
      %ge3A_79 = arith.cmpi sge, %scan3A_74, %ge3A : i32
      %convert_element_type3A = arith.extui %ge3A_79 : i1 to i32
      %cond3A = arith.constant 0 : i32
      %cond3A_80 = arith.cmpi ne, %convert_element_type3A, %cond3A : i32
      scf.if %cond3A_80 {
        %dma_wait3A_163 = arith.constant 0 : i32
        %dma_wait3A_164 = arith.constant 0 : i32
        %dma_wait3A_165 = arith.constant 0 : i32
        %dma_wait3A_166 = tpu.memref_slice %arg9[%dma_wait3A_163, %dma_wait3A_164, %dma_wait3A_165] : memref<2x128x128xf32, #tpu.memory_space<vmem>> -> memref<1x128x128xf32, #tpu.memory_space<vmem>>
        %dma_wait3A_167 = tpu.memref_squeeze %dma_wait3A_166 : memref<1x128x128xf32, #tpu.memory_space<vmem>> -> memref<128x128xf32, #tpu.memory_space<vmem>>
        %dma_wait3A_168 = arith.constant 0 : i32
        %dma_wait3A_169 = tpu.memref_slice %arg8[%add3A_78, %dma_wait3A_168] : memref<40x128xi32, #tpu.memory_space<vmem>> -> memref<1x128xi32, #tpu.memory_space<vmem>>
        %dma_wait3A_170 = tpu.memref_squeeze %dma_wait3A_169 : memref<1x128xi32, #tpu.memory_space<vmem>> -> memref<128xi32, #tpu.memory_space<vmem>>
        %dma_wait3A_171 = arith.constant 0 : i32
        %dma_wait3A_172 = arith.constant 0 : i32
        %dma_wait3A_173 = tpu.memref_slice %arg14[%dma_wait3A_171, %dma_wait3A_172] : memref<10240x128xf32, #tpu.memory_space<vmem_shared>> -> memref<10240x128xf32, #tpu.memory_space<vmem_shared>>
        tpu.wait_indirect_dma semaphore(%arg12 : memref<!tpu.dma_semaphore, #tpu.memory_space<semaphore_mem>>) src(%dma_wait3A_167 : memref<128x128xf32, #tpu.memory_space<vmem>>) dst(%dma_wait3A_173 : memref<10240x128xf32, #tpu.memory_space<vmem_shared>>)
      } else {
      }
      %dma_start3A = arith.constant 0 : i32
      %dma_start3A_81 = arith.constant 0 : i32
      %dma_start3A_82 = arith.constant 0 : i32
      %dma_start3A_83 = tpu.memref_slice %arg9[%dma_start3A, %dma_start3A_81, %dma_start3A_82] : memref<2x128x128xf32, #tpu.memory_space<vmem>> -> memref<1x128x128xf32, #tpu.memory_space<vmem>>
      %dma_start3A_84 = tpu.memref_squeeze %dma_start3A_83 : memref<1x128x128xf32, #tpu.memory_space<vmem>> -> memref<128x128xf32, #tpu.memory_space<vmem>>
      %dma_start3A_85 = arith.constant 0 : i32
      %dma_start3A_86 = tpu.memref_slice %arg7[%add3A_78, %dma_start3A_85] : memref<40x128xi32, #tpu.memory_space<vmem>> -> memref<1x128xi32, #tpu.memory_space<vmem>>
      %dma_start3A_87 = tpu.memref_squeeze %dma_start3A_86 : memref<1x128xi32, #tpu.memory_space<vmem>> -> memref<128xi32, #tpu.memory_space<vmem>>
      %dma_start3A_88 = arith.constant 0 : i32
      %dma_start3A_89 = arith.constant 0 : i32
      %dma_start3A_90 = tpu.memref_slice %arg2[%dma_start3A_88, %dma_start3A_89] : memref<10000x128xf32, #tpu.memory_space<hbm>> -> memref<10000x128xf32, #tpu.memory_space<hbm>>
      tpu.enqueue_indirect_dma source(%dma_start3A_90 : memref<10000x128xf32, #tpu.memory_space<hbm>>) target(%dma_start3A_84 : memref<128x128xf32, #tpu.memory_space<vmem>>) offsets(%dma_start3A_87 : memref<128xi32, #tpu.memory_space<vmem>>) semaphore(%arg10 : memref<!tpu.dma_semaphore, #tpu.memory_space<semaphore_mem>>)
      %mul3A_91 = arith.constant 2 : i32
      %mul3A_92 = arith.muli %scan3A_74, %mul3A_91 : i32
      %add3A_93 = arith.constant 1 : i32
      %add3A_94 = arith.addi %mul3A_92, %add3A_93 : i32
      %ge3A_95 = arith.constant 1 : i32
      %ge3A_96 = arith.cmpi sge, %scan3A_74, %ge3A_95 : i32
      %convert_element_type3A_97 = arith.extui %ge3A_96 : i1 to i32
      %cond3A_98 = arith.constant 0 : i32
      %cond3A_99 = arith.cmpi ne, %convert_element_type3A_97, %cond3A_98 : i32
      scf.if %cond3A_99 {
        %dma_wait3A_163 = arith.constant 1 : i32
        %dma_wait3A_164 = arith.constant 0 : i32
        %dma_wait3A_165 = arith.constant 0 : i32
        %dma_wait3A_166 = tpu.memref_slice %arg9[%dma_wait3A_163, %dma_wait3A_164, %dma_wait3A_165] : memref<2x128x128xf32, #tpu.memory_space<vmem>> -> memref<1x128x128xf32, #tpu.memory_space<vmem>>
        %dma_wait3A_167 = tpu.memref_squeeze %dma_wait3A_166 : memref<1x128x128xf32, #tpu.memory_space<vmem>> -> memref<128x128xf32, #tpu.memory_space<vmem>>
        %dma_wait3A_168 = arith.constant 0 : i32
        %dma_wait3A_169 = tpu.memref_slice %arg8[%add3A_94, %dma_wait3A_168] : memref<40x128xi32, #tpu.memory_space<vmem>> -> memref<1x128xi32, #tpu.memory_space<vmem>>
        %dma_wait3A_170 = tpu.memref_squeeze %dma_wait3A_169 : memref<1x128xi32, #tpu.memory_space<vmem>> -> memref<128xi32, #tpu.memory_space<vmem>>
        %dma_wait3A_171 = arith.constant 0 : i32
        %dma_wait3A_172 = arith.constant 0 : i32
        %dma_wait3A_173 = tpu.memref_slice %arg14[%dma_wait3A_171, %dma_wait3A_172] : memref<10240x128xf32, #tpu.memory_space<vmem_shared>> -> memref<10240x128xf32, #tpu.memory_space<vmem_shared>>
        tpu.wait_indirect_dma semaphore(%arg13 : memref<!tpu.dma_semaphore, #tpu.memory_space<semaphore_mem>>) src(%dma_wait3A_167 : memref<128x128xf32, #tpu.memory_space<vmem>>) dst(%dma_wait3A_173 : memref<10240x128xf32, #tpu.memory_space<vmem_shared>>)
      } else {
      }
      %dma_start3A_100 = arith.constant 1 : i32
      %dma_start3A_101 = arith.constant 0 : i32
      %dma_start3A_102 = arith.constant 0 : i32
      %dma_start3A_103 = tpu.memref_slice %arg9[%dma_start3A_100, %dma_start3A_101, %dma_start3A_102] : memref<2x128x128xf32, #tpu.memory_space<vmem>> -> memref<1x128x128xf32, #tpu.memory_space<vmem>>
      %dma_start3A_104 = tpu.memref_squeeze %dma_start3A_103 : memref<1x128x128xf32, #tpu.memory_space<vmem>> -> memref<128x128xf32, #tpu.memory_space<vmem>>
      %dma_start3A_105 = arith.constant 0 : i32
      %dma_start3A_106 = tpu.memref_slice %arg7[%add3A_94, %dma_start3A_105] : memref<40x128xi32, #tpu.memory_space<vmem>> -> memref<1x128xi32, #tpu.memory_space<vmem>>
      %dma_start3A_107 = tpu.memref_squeeze %dma_start3A_106 : memref<1x128xi32, #tpu.memory_space<vmem>> -> memref<128xi32, #tpu.memory_space<vmem>>
      %dma_start3A_108 = arith.constant 0 : i32
      %dma_start3A_109 = arith.constant 0 : i32
      %dma_start3A_110 = tpu.memref_slice %arg2[%dma_start3A_108, %dma_start3A_109] : memref<10000x128xf32, #tpu.memory_space<hbm>> -> memref<10000x128xf32, #tpu.memory_space<hbm>>
      tpu.enqueue_indirect_dma source(%dma_start3A_110 : memref<10000x128xf32, #tpu.memory_space<hbm>>) target(%dma_start3A_104 : memref<128x128xf32, #tpu.memory_space<vmem>>) offsets(%dma_start3A_107 : memref<128xi32, #tpu.memory_space<vmem>>) semaphore(%arg11 : memref<!tpu.dma_semaphore, #tpu.memory_space<semaphore_mem>>)
      %mul3A_111 = arith.constant 2 : i32
      %mul3A_112 = arith.muli %scan3A_74, %mul3A_111 : i32
      %add3A_113 = arith.constant 0 : i32
      %add3A_114 = arith.addi %mul3A_112, %add3A_113 : i32
      %dma_wait3A_115 = arith.constant 0 : i32
      %dma_wait3A_116 = arith.constant 0 : i32
      %dma_wait3A_117 = arith.constant 0 : i32
      %dma_wait3A_118 = tpu.memref_slice %arg9[%dma_wait3A_115, %dma_wait3A_116, %dma_wait3A_117] : memref<2x128x128xf32, #tpu.memory_space<vmem>> -> memref<1x128x128xf32, #tpu.memory_space<vmem>>
      %dma_wait3A_119 = tpu.memref_squeeze %dma_wait3A_118 : memref<1x128x128xf32, #tpu.memory_space<vmem>> -> memref<128x128xf32, #tpu.memory_space<vmem>>
      %dma_wait3A_120 = arith.constant 0 : i32
      %dma_wait3A_121 = tpu.memref_slice %arg7[%add3A_78, %dma_wait3A_120] : memref<40x128xi32, #tpu.memory_space<vmem>> -> memref<1x128xi32, #tpu.memory_space<vmem>>
      %dma_wait3A_122 = tpu.memref_squeeze %dma_wait3A_121 : memref<1x128xi32, #tpu.memory_space<vmem>> -> memref<128xi32, #tpu.memory_space<vmem>>
      %dma_wait3A_123 = arith.constant 0 : i32
      %dma_wait3A_124 = arith.constant 0 : i32
      %dma_wait3A_125 = tpu.memref_slice %arg2[%dma_wait3A_123, %dma_wait3A_124] : memref<10000x128xf32, #tpu.memory_space<hbm>> -> memref<10000x128xf32, #tpu.memory_space<hbm>>
      tpu.wait_indirect_dma semaphore(%arg10 : memref<!tpu.dma_semaphore, #tpu.memory_space<semaphore_mem>>) src(%dma_wait3A_125 : memref<10000x128xf32, #tpu.memory_space<hbm>>) dst(%dma_wait3A_119 : memref<128x128xf32, #tpu.memory_space<vmem>>)
      %dma_start3A_126 = arith.constant 0 : i32
      %dma_start3A_127 = arith.constant 0 : i32
      %dma_start3A_128 = arith.constant 0 : i32
      %dma_start3A_129 = tpu.memref_slice %arg9[%dma_start3A_126, %dma_start3A_127, %dma_start3A_128] : memref<2x128x128xf32, #tpu.memory_space<vmem>> -> memref<1x128x128xf32, #tpu.memory_space<vmem>>
      %dma_start3A_130 = tpu.memref_squeeze %dma_start3A_129 : memref<1x128x128xf32, #tpu.memory_space<vmem>> -> memref<128x128xf32, #tpu.memory_space<vmem>>
      %dma_start3A_131 = arith.constant 0 : i32
      %dma_start3A_132 = tpu.memref_slice %arg8[%add3A_114, %dma_start3A_131] : memref<40x128xi32, #tpu.memory_space<vmem>> -> memref<1x128xi32, #tpu.memory_space<vmem>>
      %dma_start3A_133 = tpu.memref_squeeze %dma_start3A_132 : memref<1x128xi32, #tpu.memory_space<vmem>> -> memref<128xi32, #tpu.memory_space<vmem>>
      %dma_start3A_134 = arith.constant 0 : i32
      %dma_start3A_135 = arith.constant 0 : i32
      %dma_start3A_136 = tpu.memref_slice %arg14[%dma_start3A_134, %dma_start3A_135] : memref<10240x128xf32, #tpu.memory_space<vmem_shared>> -> memref<10240x128xf32, #tpu.memory_space<vmem_shared>>
      tpu.enqueue_indirect_dma source(%dma_start3A_130 : memref<128x128xf32, #tpu.memory_space<vmem>>) target(%dma_start3A_136 : memref<10240x128xf32, #tpu.memory_space<vmem_shared>>) offsets(%dma_start3A_133 : memref<128xi32, #tpu.memory_space<vmem>>) semaphore(%arg12 : memref<!tpu.dma_semaphore, #tpu.memory_space<semaphore_mem>>) {add = true}
      %mul3A_137 = arith.constant 2 : i32
      %mul3A_138 = arith.muli %scan3A_74, %mul3A_137 : i32
      %add3A_139 = arith.constant 1 : i32
      %add3A_140 = arith.addi %mul3A_138, %add3A_139 : i32
      %dma_wait3A_141 = arith.constant 1 : i32
      %dma_wait3A_142 = arith.constant 0 : i32
      %dma_wait3A_143 = arith.constant 0 : i32
      %dma_wait3A_144 = tpu.memref_slice %arg9[%dma_wait3A_141, %dma_wait3A_142, %dma_wait3A_143] : memref<2x128x128xf32, #tpu.memory_space<vmem>> -> memref<1x128x128xf32, #tpu.memory_space<vmem>>
      %dma_wait3A_145 = tpu.memref_squeeze %dma_wait3A_144 : memref<1x128x128xf32, #tpu.memory_space<vmem>> -> memref<128x128xf32, #tpu.memory_space<vmem>>
      %dma_wait3A_146 = arith.constant 0 : i32
      %dma_wait3A_147 = tpu.memref_slice %arg7[%add3A_94, %dma_wait3A_146] : memref<40x128xi32, #tpu.memory_space<vmem>> -> memref<1x128xi32, #tpu.memory_space<vmem>>
      %dma_wait3A_148 = tpu.memref_squeeze %dma_wait3A_147 : memref<1x128xi32, #tpu.memory_space<vmem>> -> memref<128xi32, #tpu.memory_space<vmem>>
      %dma_wait3A_149 = arith.constant 0 : i32
      %dma_wait3A_150 = arith.constant 0 : i32
      %dma_wait3A_151 = tpu.memref_slice %arg2[%dma_wait3A_149, %dma_wait3A_150] : memref<10000x128xf32, #tpu.memory_space<hbm>> -> memref<10000x128xf32, #tpu.memory_space<hbm>>
      tpu.wait_indirect_dma semaphore(%arg11 : memref<!tpu.dma_semaphore, #tpu.memory_space<semaphore_mem>>) src(%dma_wait3A_151 : memref<10000x128xf32, #tpu.memory_space<hbm>>) dst(%dma_wait3A_145 : memref<128x128xf32, #tpu.memory_space<vmem>>)
      %dma_start3A_152 = arith.constant 1 : i32
      %dma_start3A_153 = arith.constant 0 : i32
      %dma_start3A_154 = arith.constant 0 : i32
      %dma_start3A_155 = tpu.memref_slice %arg9[%dma_start3A_152, %dma_start3A_153, %dma_start3A_154] : memref<2x128x128xf32, #tpu.memory_space<vmem>> -> memref<1x128x128xf32, #tpu.memory_space<vmem>>
      %dma_start3A_156 = tpu.memref_squeeze %dma_start3A_155 : memref<1x128x128xf32, #tpu.memory_space<vmem>> -> memref<128x128xf32, #tpu.memory_space<vmem>>
      %dma_start3A_157 = arith.constant 0 : i32
      %dma_start3A_158 = tpu.memref_slice %arg8[%add3A_140, %dma_start3A_157] : memref<40x128xi32, #tpu.memory_space<vmem>> -> memref<1x128xi32, #tpu.memory_space<vmem>>
      %dma_start3A_159 = tpu.memref_squeeze %dma_start3A_158 : memref<1x128xi32, #tpu.memory_space<vmem>> -> memref<128xi32, #tpu.memory_space<vmem>>
      %dma_start3A_160 = arith.constant 0 : i32
      %dma_start3A_161 = arith.constant 0 : i32
      %dma_start3A_162 = tpu.memref_slice %arg14[%dma_start3A_160, %dma_start3A_161] : memref<10240x128xf32, #tpu.memory_space<vmem_shared>> -> memref<10240x128xf32, #tpu.memory_space<vmem_shared>>
      tpu.enqueue_indirect_dma source(%dma_start3A_156 : memref<128x128xf32, #tpu.memory_space<vmem>>) target(%dma_start3A_162 : memref<10240x128xf32, #tpu.memory_space<vmem_shared>>) offsets(%dma_start3A_159 : memref<128xi32, #tpu.memory_space<vmem>>) semaphore(%arg13 : memref<!tpu.dma_semaphore, #tpu.memory_space<semaphore_mem>>) {add = true}
    }
    %scan3A_44 = arith.constant 20 : i32
    %dma_wait3A_45 = arith.constant 0 : i32
    %dma_wait3A_46 = arith.constant 0 : i32
    %dma_wait3A_47 = arith.constant 0 : i32
    %dma_wait3A_48 = arith.constant 0 : i32
    %dma_wait3A_49 = tpu.memref_slice %arg9[%dma_wait3A_45, %dma_wait3A_47, %dma_wait3A_48] : memref<2x128x128xf32, #tpu.memory_space<vmem>> -> memref<1x128x128xf32, #tpu.memory_space<vmem>>
    %dma_wait3A_50 = tpu.memref_squeeze %dma_wait3A_49 : memref<1x128x128xf32, #tpu.memory_space<vmem>> -> memref<128x128xf32, #tpu.memory_space<vmem>>
    %dma_wait3A_51 = arith.constant 0 : i32
    %dma_wait3A_52 = tpu.memref_slice %arg8[%dma_wait3A_46, %dma_wait3A_51] : memref<40x128xi32, #tpu.memory_space<vmem>> -> memref<1x128xi32, #tpu.memory_space<vmem>>
    %dma_wait3A_53 = tpu.memref_squeeze %dma_wait3A_52 : memref<1x128xi32, #tpu.memory_space<vmem>> -> memref<128xi32, #tpu.memory_space<vmem>>
    %dma_wait3A_54 = arith.constant 0 : i32
    %dma_wait3A_55 = arith.constant 0 : i32
    %dma_wait3A_56 = tpu.memref_slice %arg14[%dma_wait3A_54, %dma_wait3A_55] : memref<10240x128xf32, #tpu.memory_space<vmem_shared>> -> memref<10240x128xf32, #tpu.memory_space<vmem_shared>>
    tpu.wait_indirect_dma semaphore(%arg12 : memref<!tpu.dma_semaphore, #tpu.memory_space<semaphore_mem>>) src(%dma_wait3A_50 : memref<128x128xf32, #tpu.memory_space<vmem>>) dst(%dma_wait3A_56 : memref<10240x128xf32, #tpu.memory_space<vmem_shared>>)
    %dma_wait3A_57 = arith.constant 1 : i32
    %dma_wait3A_58 = arith.constant 1 : i32
    %dma_wait3A_59 = arith.constant 0 : i32
    %dma_wait3A_60 = arith.constant 0 : i32
    %dma_wait3A_61 = tpu.memref_slice %arg9[%dma_wait3A_57, %dma_wait3A_59, %dma_wait3A_60] : memref<2x128x128xf32, #tpu.memory_space<vmem>> -> memref<1x128x128xf32, #tpu.memory_space<vmem>>
    %dma_wait3A_62 = tpu.memref_squeeze %dma_wait3A_61 : memref<1x128x128xf32, #tpu.memory_space<vmem>> -> memref<128x128xf32, #tpu.memory_space<vmem>>
    %dma_wait3A_63 = arith.constant 0 : i32
    %dma_wait3A_64 = tpu.memref_slice %arg8[%dma_wait3A_58, %dma_wait3A_63] : memref<40x128xi32, #tpu.memory_space<vmem>> -> memref<1x128xi32, #tpu.memory_space<vmem>>
    %dma_wait3A_65 = tpu.memref_squeeze %dma_wait3A_64 : memref<1x128xi32, #tpu.memory_space<vmem>> -> memref<128xi32, #tpu.memory_space<vmem>>
    %dma_wait3A_66 = arith.constant 0 : i32
    %dma_wait3A_67 = arith.constant 0 : i32
    %dma_wait3A_68 = tpu.memref_slice %arg14[%dma_wait3A_66, %dma_wait3A_67] : memref<10240x128xf32, #tpu.memory_space<vmem_shared>> -> memref<10240x128xf32, #tpu.memory_space<vmem_shared>>
    tpu.wait_indirect_dma semaphore(%arg13 : memref<!tpu.dma_semaphore, #tpu.memory_space<semaphore_mem>>) src(%dma_wait3A_62 : memref<128x128xf32, #tpu.memory_space<vmem>>) dst(%dma_wait3A_68 : memref<10240x128xf32, #tpu.memory_space<vmem_shared>>)
    %barrier3A_69 = arith.constant 0 : index
    tpu.barrier barrier_id(%barrier3A_69)
    %mul3A_70 = arith.constant 640 : i32
    %mul3A_71 = arith.muli %arg1, %mul3A_70 : i32
    %mul3A_72 = arith.constant 640 : i32
    %mul3A_73 = arith.muli %arg1, %mul3A_72 : i32
    "tpu.region"() ({
      %run_scoped3A = tpu.sem_alloc : memref<!tpu.dma_semaphore, #tpu.memory_space<semaphore_mem>>
      %dma_start3A = arith.constant 0 : i32
      %dma_start3A_74 = tpu.memref_slice %arg6[%arg0, %mul3A_73, %dma_start3A] : memref<2x10240x128xf32, #tpu.memory_space<hbm>> -> memref<1x640x128xf32, #tpu.memory_space<hbm>>
      %dma_start3A_75 = tpu.memref_squeeze %dma_start3A_74 : memref<1x640x128xf32, #tpu.memory_space<hbm>> -> memref<640x128xf32, #tpu.memory_space<hbm>>
      %dma_start3A_76 = arith.constant 0 : i32
      %dma_start3A_77 = tpu.memref_slice %arg14[%mul3A_71, %dma_start3A_76] : memref<10240x128xf32, #tpu.memory_space<vmem_shared>> -> memref<640x128xf32, #tpu.memory_space<vmem_shared>>
      tpu.enqueue_dma source(%dma_start3A_77 : memref<640x128xf32, #tpu.memory_space<vmem_shared>>) target(%dma_start3A_75 : memref<640x128xf32, #tpu.memory_space<hbm>>) target_semaphore(%run_scoped3A : memref<!tpu.dma_semaphore, #tpu.memory_space<semaphore_mem>>)
      %dma_wait3A_78 = arith.constant 0 : i32
      %dma_wait3A_79 = tpu.memref_slice %arg6[%arg0, %mul3A_73, %dma_wait3A_78] : memref<2x10240x128xf32, #tpu.memory_space<hbm>> -> memref<1x640x128xf32, #tpu.memory_space<hbm>>
      %dma_wait3A_80 = tpu.memref_squeeze %dma_wait3A_79 : memref<1x640x128xf32, #tpu.memory_space<hbm>> -> memref<640x128xf32, #tpu.memory_space<hbm>>
      %dma_wait3A_81 = arith.constant 0 : i32
      %dma_wait3A_82 = tpu.memref_slice %arg14[%mul3A_71, %dma_wait3A_81] : memref<10240x128xf32, #tpu.memory_space<vmem_shared>> -> memref<640x128xf32, #tpu.memory_space<vmem_shared>>
      tpu.wait_dma2 semaphore(%run_scoped3A : memref<!tpu.dma_semaphore, #tpu.memory_space<semaphore_mem>>) src(%dma_wait3A_82 : memref<640x128xf32, #tpu.memory_space<vmem_shared>>) dst(%dma_wait3A_80 : memref<640x128xf32, #tpu.memory_space<hbm>>)
      tpu.yield
    }) : () -> ()
    return
  }
}

module attributes {stable_mosaic.version = 14 : i64} {
  func.func @_tck0_body(%arg0: i32, %arg1: memref<512x128xf32, #tpu.memory_space<vmem>>, %arg2: memref<128x128xf32, #tpu.memory_space<vmem>>, %arg3: memref<512x128xf32, #tpu.memory_space<vmem>>) attributes {dimension_semantics = [#tpu.dimension_semantics<arbitrary>], iteration_bounds = array<i64: 20>, scalar_prefetch = 0 : i64, scratch_operands = 0 : i64, tpu.core_type = #tpu.core_type<tc>, window_params = [{transform_indices = @transform_0, window_bounds = array<i64: 512, 128>}, {pipeline_mode = #tpu.pipeline_mode<synchronous>, transform_indices = @transform_1, window_bounds = array<i64: 128, 128>}, {transform_indices = @transform_2, window_bounds = array<i64: 512, 128>}]} {
    %get3A = arith.constant 0 : index
    %get3A_0 = arith.constant 0 : index
    %get3A_1 = vector.load %arg1[%get3A, %get3A_0] : memref<512x128xf32, #tpu.memory_space<vmem>>, vector<512x128xf32>
    %get3A_2 = arith.constant 0 : index
    %get3A_3 = arith.constant 0 : index
    %get3A_4 = vector.load %arg2[%get3A_2, %get3A_3] : memref<128x128xf32, #tpu.memory_space<vmem>>, vector<128x128xf32>
    %dot_general3A = arith.constant dense<0.000000e+00> : vector<512x128xf32>
    %dot_general3A_5 = tpu.matmul %get3A_1, %get3A_4, %dot_general3A {dimension_numbers = #tpu.dot_dimension_numbers<[1], [0], [0], [1], [0, 0, 1, 1], [], []>, transpose_lhs_hint = false} : vector<512x128xf32>, vector<128x128xf32>, vector<512x128xf32> -> vector<512x128xf32>
    %swap3A = arith.constant 0 : index
    %swap3A_6 = arith.constant 0 : index
    %swap3A_7 = vector.load %arg3[%swap3A, %swap3A_6] : memref<512x128xf32, #tpu.memory_space<vmem>>, vector<512x128xf32>
    tpu.vector_store %arg3[%swap3A, %swap3A_6], %dot_general3A_5 {strides = array<i32>} : memref<512x128xf32, #tpu.memory_space<vmem>>, vector<512x128xf32>,
    return
  }
  func.func @transform_0(%arg0: i32) -> (i32, i32) {
    %c0_i32 = arith.constant 0 : i32
    %c0_i32_0 = arith.constant 0 : i32
    return %arg0, %c0_i32 : i32, i32
  }
  func.func @transform_1(%arg0: i32) -> (i32, i32) {
    %c0_i32 = arith.constant 0 : i32
    %c0_i32_0 = arith.constant 0 : i32
    %c0_i32_1 = arith.constant 0 : i32
    return %c0_i32, %c0_i32_0 : i32, i32
  }
  func.func @transform_2(%arg0: i32) -> (i32, i32) {
    %c0_i32 = arith.constant 0 : i32
    %c0_i32_0 = arith.constant 0 : i32
    return %arg0, %c0_i32 : i32, i32
  }
}

module attributes {stable_mosaic.version = 14 : i64} {
  func.func @_tck1_body(%arg0: i32, %arg1: memref<2x10240x128xf32, #tpu.memory_space<vmem>>, %arg2: memref<512x128xf32, #tpu.memory_space<vmem>>, %arg3: memref<512x128xf32, #tpu.memory_space<vmem>>, %arg4: memref<512x128xf32, #tpu.memory_space<vmem>>) attributes {dimension_semantics = [#tpu.dimension_semantics<arbitrary>], iteration_bounds = array<i64: 20>, scalar_prefetch = 0 : i64, scratch_operands = 0 : i64, tpu.core_type = #tpu.core_type<tc>, window_params = [{pipeline_mode = #tpu.pipeline_mode<synchronous>, transform_indices = @transform_0, window_bounds = array<i64: 2, 10240, 128>}, {transform_indices = @transform_1, window_bounds = array<i64: 512, 128>}, {transform_indices = @transform_2, window_bounds = array<i64: 512, 128>}, {transform_indices = @transform_3, window_bounds = array<i64: 512, 128>}]} {
    %mul3A = arith.constant 512 : i32
    %mul3A_0 = arith.muli %arg0, %mul3A : i32
    %get3A = arith.constant 0 : index
    %get3A_1 = arith.index_cast %mul3A_0 : i32 to index
    %get3A_2 = arith.constant 0 : index
    %get3A_3 = vector.load %arg1[%get3A, %get3A_1, %get3A_2] : memref<2x10240x128xf32, #tpu.memory_space<vmem>>, vector<1x512x128xf32>
    %get3A_4 = vector.shape_cast %get3A_3 : vector<1x512x128xf32> to vector<512x128xf32>
    %mul3A_5 = arith.constant 512 : i32
    %mul3A_6 = arith.muli %arg0, %mul3A_5 : i32
    %get3A_7 = arith.constant 1 : index
    %get3A_8 = arith.index_cast %mul3A_6 : i32 to index
    %get3A_9 = arith.constant 0 : index
    %get3A_10 = vector.load %arg1[%get3A_7, %get3A_8, %get3A_9] : memref<2x10240x128xf32, #tpu.memory_space<vmem>>, vector<1x512x128xf32>
    %get3A_11 = vector.shape_cast %get3A_10 : vector<1x512x128xf32> to vector<512x128xf32>
    %slice3A = vector.extract_strided_slice %get3A_4 {offsets = [0, 0], sizes = [512, 1], strides = [1, 1]} : vector<512x128xf32> to vector<512x1xf32>
    %slice3A_12 = vector.extract_strided_slice %get3A_11 {offsets = [0, 0], sizes = [512, 1], strides = [1, 1]} : vector<512x128xf32> to vector<512x1xf32>
    %add3A = arith.addf %slice3A, %slice3A_12 : vector<512x1xf32>
    %add3A_13 = arith.constant 1.000000e+00 : f32
    %add3A_14 = vector.broadcast %add3A_13 : f32 to vector<512x1xf32>
    %add3A_15 = arith.addf %add3A, %add3A_14 : vector<512x1xf32>
    %rsqrt3A = math.rsqrt %add3A_15 : vector<512x1xf32>
    %broadcast_in_dim3A = vector.shape_cast %rsqrt3A : vector<512x1xf32> to vector<512x1xf32>
    %broadcast_in_dim3A_16 = vector.broadcast %broadcast_in_dim3A : vector<512x1xf32> to vector<512x128xf32>
    %swap3A = arith.constant 0 : index
    %swap3A_17 = arith.constant 0 : index
    %swap3A_18 = vector.load %arg4[%swap3A, %swap3A_17] : memref<512x128xf32, #tpu.memory_space<vmem>>, vector<512x128xf32>
    tpu.vector_store %arg4[%swap3A, %swap3A_17], %broadcast_in_dim3A_16 {strides = array<i32>} : memref<512x128xf32, #tpu.memory_space<vmem>>, vector<512x128xf32>,
    %get3A_19 = arith.constant 0 : index
    %get3A_20 = arith.constant 0 : index
    %get3A_21 = vector.load %arg2[%get3A_19, %get3A_20] : memref<512x128xf32, #tpu.memory_space<vmem>>, vector<512x128xf32>
    %mul3A_22 = arith.mulf %broadcast_in_dim3A_16, %get3A_21 : vector<512x128xf32>
    %swap3A_23 = arith.constant 0 : index
    %swap3A_24 = arith.constant 0 : index
    %swap3A_25 = vector.load %arg3[%swap3A_23, %swap3A_24] : memref<512x128xf32, #tpu.memory_space<vmem>>, vector<512x128xf32>
    tpu.vector_store %arg3[%swap3A_23, %swap3A_24], %mul3A_22 {strides = array<i32>} : memref<512x128xf32, #tpu.memory_space<vmem>>, vector<512x128xf32>,
    return
  }
  func.func @transform_0(%arg0: i32) -> (i32, i32, i32) {
    %c0_i32 = arith.constant 0 : i32
    %c0_i32_0 = arith.constant 0 : i32
    %c0_i32_1 = arith.constant 0 : i32
    %c0_i32_2 = arith.constant 0 : i32
    return %c0_i32, %c0_i32_0, %c0_i32_1 : i32, i32, i32
  }
  func.func @transform_1(%arg0: i32) -> (i32, i32) {
    %c0_i32 = arith.constant 0 : i32
    %c0_i32_0 = arith.constant 0 : i32
    return %arg0, %c0_i32 : i32, i32
  }
  func.func @transform_2(%arg0: i32) -> (i32, i32) {
    %c0_i32 = arith.constant 0 : i32
    %c0_i32_0 = arith.constant 0 : i32
    return %arg0, %c0_i32 : i32, i32
  }
  func.func @transform_3(%arg0: i32) -> (i32, i32) {
    %c0_i32 = arith.constant 0 : i32
    %c0_i32_0 = arith.constant 0 : i32
    return %arg0, %c0_i32 : i32, i32
  }
}

module attributes {stable_mosaic.version = 14 : i64} {
  func.func @_tck2_body(%arg0: i32, %arg1: memref<2x512x128xf32, #tpu.memory_space<vmem>>, %arg2: memref<512x128xf32, #tpu.memory_space<vmem>>, %arg3: memref<512x128xf32, #tpu.memory_space<vmem>>, %arg4: memref<1x128xf32, #tpu.memory_space<vmem>>, %arg5: memref<128x128xf32, #tpu.memory_space<vmem>>, %arg6: memref<512x128xf32, #tpu.memory_space<vmem>>) attributes {dimension_semantics = [#tpu.dimension_semantics<arbitrary>], iteration_bounds = array<i64: 20>, scalar_prefetch = 0 : i64, scratch_operands = 0 : i64, tpu.core_type = #tpu.core_type<tc>, window_params = [{transform_indices = @transform_0, window_bounds = array<i64: 2, 512, 128>}, {transform_indices = @transform_1, window_bounds = array<i64: 512, 128>}, {transform_indices = @transform_2, window_bounds = array<i64: 512, 128>}, {pipeline_mode = #tpu.pipeline_mode<synchronous>, transform_indices = @transform_3, window_bounds = array<i64: 1, 128>}, {pipeline_mode = #tpu.pipeline_mode<synchronous>, transform_indices = @transform_4, window_bounds = array<i64: 128, 128>}, {transform_indices = @transform_5, window_bounds = array<i64: 512, 128>}]} {
    %get3A = arith.constant 0 : index
    %get3A_0 = arith.constant 0 : index
    %get3A_1 = arith.constant 0 : index
    %get3A_2 = vector.load %arg1[%get3A, %get3A_0, %get3A_1] : memref<2x512x128xf32, #tpu.memory_space<vmem>>, vector<1x512x128xf32>
    %get3A_3 = vector.shape_cast %get3A_2 : vector<1x512x128xf32> to vector<512x128xf32>
    %get3A_4 = arith.constant 1 : index
    %get3A_5 = arith.constant 0 : index
    %get3A_6 = arith.constant 0 : index
    %get3A_7 = vector.load %arg1[%get3A_4, %get3A_5, %get3A_6] : memref<2x512x128xf32, #tpu.memory_space<vmem>>, vector<1x512x128xf32>
    %get3A_8 = vector.shape_cast %get3A_7 : vector<1x512x128xf32> to vector<512x128xf32>
    %add3A = arith.addf %get3A_3, %get3A_8 : vector<512x128xf32>
    %get3A_9 = arith.constant 0 : index
    %get3A_10 = arith.constant 0 : index
    %get3A_11 = vector.load %arg3[%get3A_9, %get3A_10] : memref<512x128xf32, #tpu.memory_space<vmem>>, vector<512x128xf32>
    %get3A_12 = arith.constant 0 : index
    %get3A_13 = arith.constant 0 : index
    %get3A_14 = vector.load %arg2[%get3A_12, %get3A_13] : memref<512x128xf32, #tpu.memory_space<vmem>>, vector<512x128xf32>
    %add3A_15 = arith.addf %add3A, %get3A_14 : vector<512x128xf32>
    %mul3A = arith.mulf %get3A_11, %add3A_15 : vector<512x128xf32>
    %get3A_16 = arith.constant 0 : index
    %get3A_17 = arith.constant 0 : index
    %get3A_18 = vector.load %arg4[%get3A_16, %get3A_17] : memref<1x128xf32, #tpu.memory_space<vmem>>, vector<1x128xf32>
    %add3A_19 = vector.broadcast %get3A_18 : vector<1x128xf32> to vector<512x128xf32>
    %add3A_20 = arith.addf %mul3A, %add3A_19 : vector<512x128xf32>
    %max3A = arith.constant 0.000000e+00 : f32
    %max3A_21 = vector.broadcast %max3A : f32 to vector<512x128xf32>
    %max3A_22 = arith.maximumf %add3A_20, %max3A_21 : vector<512x128xf32>
    %get3A_23 = arith.constant 0 : index
    %get3A_24 = arith.constant 0 : index
    %get3A_25 = vector.load %arg5[%get3A_23, %get3A_24] : memref<128x128xf32, #tpu.memory_space<vmem>>, vector<128x128xf32>
    %dot_general3A = arith.constant dense<0.000000e+00> : vector<512x128xf32>
    %dot_general3A_26 = tpu.matmul %max3A_22, %get3A_25, %dot_general3A {dimension_numbers = #tpu.dot_dimension_numbers<[1], [0], [0], [1], [0, 0, 1, 1], [], []>, transpose_lhs_hint = false} : vector<512x128xf32>, vector<128x128xf32>, vector<512x128xf32> -> vector<512x128xf32>
    %get3A_27 = arith.constant 0 : index
    %get3A_28 = arith.constant 0 : index
    %get3A_29 = vector.load %arg3[%get3A_27, %get3A_28] : memref<512x128xf32, #tpu.memory_space<vmem>>, vector<512x128xf32>
    %mul3A_30 = arith.mulf %get3A_29, %dot_general3A_26 : vector<512x128xf32>
    %swap3A = arith.constant 0 : index
    %swap3A_31 = arith.constant 0 : index
    %swap3A_32 = vector.load %arg6[%swap3A, %swap3A_31] : memref<512x128xf32, #tpu.memory_space<vmem>>, vector<512x128xf32>
    tpu.vector_store %arg6[%swap3A, %swap3A_31], %mul3A_30 {strides = array<i32>} : memref<512x128xf32, #tpu.memory_space<vmem>>, vector<512x128xf32>,
    return
  }
  func.func @transform_0(%arg0: i32) -> (i32, i32, i32) {
    %c0_i32 = arith.constant 0 : i32
    %c0_i32_0 = arith.constant 0 : i32
    %c0_i32_1 = arith.constant 0 : i32
    return %c0_i32, %arg0, %c0_i32_0 : i32, i32, i32
  }
  func.func @transform_1(%arg0: i32) -> (i32, i32) {
    %c0_i32 = arith.constant 0 : i32
    %c0_i32_0 = arith.constant 0 : i32
    return %arg0, %c0_i32 : i32, i32
  }
  func.func @transform_2(%arg0: i32) -> (i32, i32) {
    %c0_i32 = arith.constant 0 : i32
    %c0_i32_0 = arith.constant 0 : i32
    return %arg0, %c0_i32 : i32, i32
  }
  func.func @transform_3(%arg0: i32) -> (i32, i32) {
    %c0_i32 = arith.constant 0 : i32
    %c0_i32_0 = arith.constant 0 : i32
    %c0_i32_1 = arith.constant 0 : i32
    return %c0_i32, %c0_i32_0 : i32, i32
  }
  func.func @transform_4(%arg0: i32) -> (i32, i32) {
    %c0_i32 = arith.constant 0 : i32
    %c0_i32_0 = arith.constant 0 : i32
    %c0_i32_1 = arith.constant 0 : i32
    return %c0_i32, %c0_i32_0 : i32, i32
  }
  func.func @transform_5(%arg0: i32) -> (i32, i32) {
    %c0_i32 = arith.constant 0 : i32
    %c0_i32_0 = arith.constant 0 : i32
    return %arg0, %c0_i32 : i32, i32
  }
}

module attributes {stable_mosaic.version = 14 : i64} {
  func.func @_tck3_body(%arg0: i32, %arg1: memref<2x512x128xf32, #tpu.memory_space<vmem>>, %arg2: memref<512x128xf32, #tpu.memory_space<vmem>>, %arg3: memref<512x128xf32, #tpu.memory_space<vmem>>, %arg4: memref<1x128xf32, #tpu.memory_space<vmem>>, %arg5: memref<512x128xf32, #tpu.memory_space<vmem>>) attributes {dimension_semantics = [#tpu.dimension_semantics<arbitrary>], iteration_bounds = array<i64: 20>, scalar_prefetch = 0 : i64, scratch_operands = 0 : i64, tpu.core_type = #tpu.core_type<tc>, window_params = [{transform_indices = @transform_0, window_bounds = array<i64: 2, 512, 128>}, {transform_indices = @transform_1, window_bounds = array<i64: 512, 128>}, {transform_indices = @transform_2, window_bounds = array<i64: 512, 128>}, {pipeline_mode = #tpu.pipeline_mode<synchronous>, transform_indices = @transform_3, window_bounds = array<i64: 1, 128>}, {transform_indices = @transform_4, window_bounds = array<i64: 512, 128>}]} {
    %get3A = arith.constant 0 : index
    %get3A_0 = arith.constant 0 : index
    %get3A_1 = arith.constant 0 : index
    %get3A_2 = vector.load %arg1[%get3A, %get3A_0, %get3A_1] : memref<2x512x128xf32, #tpu.memory_space<vmem>>, vector<1x512x128xf32>
    %get3A_3 = vector.shape_cast %get3A_2 : vector<1x512x128xf32> to vector<512x128xf32>
    %get3A_4 = arith.constant 1 : index
    %get3A_5 = arith.constant 0 : index
    %get3A_6 = arith.constant 0 : index
    %get3A_7 = vector.load %arg1[%get3A_4, %get3A_5, %get3A_6] : memref<2x512x128xf32, #tpu.memory_space<vmem>>, vector<1x512x128xf32>
    %get3A_8 = vector.shape_cast %get3A_7 : vector<1x512x128xf32> to vector<512x128xf32>
    %add3A = arith.addf %get3A_3, %get3A_8 : vector<512x128xf32>
    %get3A_9 = arith.constant 0 : index
    %get3A_10 = arith.constant 0 : index
    %get3A_11 = vector.load %arg3[%get3A_9, %get3A_10] : memref<512x128xf32, #tpu.memory_space<vmem>>, vector<512x128xf32>
    %get3A_12 = arith.constant 0 : index
    %get3A_13 = arith.constant 0 : index
    %get3A_14 = vector.load %arg2[%get3A_12, %get3A_13] : memref<512x128xf32, #tpu.memory_space<vmem>>, vector<512x128xf32>
    %add3A_15 = arith.addf %add3A, %get3A_14 : vector<512x128xf32>
    %mul3A = arith.mulf %get3A_11, %add3A_15 : vector<512x128xf32>
    %get3A_16 = arith.constant 0 : index
    %get3A_17 = arith.constant 0 : index
    %get3A_18 = vector.load %arg4[%get3A_16, %get3A_17] : memref<1x128xf32, #tpu.memory_space<vmem>>, vector<1x128xf32>
    %add3A_19 = vector.broadcast %get3A_18 : vector<1x128xf32> to vector<512x128xf32>
    %add3A_20 = arith.addf %mul3A, %add3A_19 : vector<512x128xf32>
    %swap3A = arith.constant 0 : index
    %swap3A_21 = arith.constant 0 : index
    %swap3A_22 = vector.load %arg5[%swap3A, %swap3A_21] : memref<512x128xf32, #tpu.memory_space<vmem>>, vector<512x128xf32>
    tpu.vector_store %arg5[%swap3A, %swap3A_21], %add3A_20 {strides = array<i32>} : memref<512x128xf32, #tpu.memory_space<vmem>>, vector<512x128xf32>,
    return
  }
  func.func @transform_0(%arg0: i32) -> (i32, i32, i32) {
    %c0_i32 = arith.constant 0 : i32
    %c0_i32_0 = arith.constant 0 : i32
    %c0_i32_1 = arith.constant 0 : i32
    return %c0_i32, %arg0, %c0_i32_0 : i32, i32, i32
  }
  func.func @transform_1(%arg0: i32) -> (i32, i32) {
    %c0_i32 = arith.constant 0 : i32
    %c0_i32_0 = arith.constant 0 : i32
    return %arg0, %c0_i32 : i32, i32
  }
  func.func @transform_2(%arg0: i32) -> (i32, i32) {
    %c0_i32 = arith.constant 0 : i32
    %c0_i32_0 = arith.constant 0 : i32
    return %arg0, %c0_i32 : i32, i32
  }
  func.func @transform_3(%arg0: i32) -> (i32, i32) {
    %c0_i32 = arith.constant 0 : i32
    %c0_i32_0 = arith.constant 0 : i32
    %c0_i32_1 = arith.constant 0 : i32
    return %c0_i32, %c0_i32_0 : i32, i32
  }
  func.func @transform_4(%arg0: i32) -> (i32, i32) {
    %c0_i32 = arith.constant 0 : i32
    %c0_i32_0 = arith.constant 0 : i32
    return %arg0, %c0_i32 : i32, i32
  }
}

</mosaic_0001>

<sc_bundles>
// kernel: kernel.12.cloned.1.call-start
scs
__scs_entry_jumppad:
0x0: {  	(pc) =	sbr.rel $0x88, $3  }
0x1: {  	(tag) =	ssettag $0x0;
	lr =	simm.s32 $0x1  }
0x2: {  	[smem:$0x3F9B] =	sst lr;
	_ =	strace $0xD0000000  }
0x3: {  	_ = 	snop  }
0x4: {  	_ = 	snop  }
0x5: {  	_ = 	snop  }
0x6: {  	_ = 	snop  }
0x7: {  	_ = 	snop  }
__scs_overlays_trampoline_lowered:
0x8: {  	[smem:$0x3FAA] =	sst s0  }
0x9: {  	[smem:$0x3FAB] =	sst s1  }
0xa: {  	[smem:$0x3FAC] =	sst s2  }
0xb: {  	[smem:$0x3FAD] =	sst s3  }
0xc: {  	[smem:$0x3FAE] =	sst s4  }
0xd: {  	[smem:$0x3FAF] =	sst s5  }
0xe: {  	[smem:$0x3FB0] =	sst s6  }
0xf: {  	[smem:$0x3FB1] =	sst s7  }
0x10: {  	[smem:$0x3FB2] =	sst s8  }
0x11: {  	[smem:$0x3FB3] =	sst s9;
	s0 =	simm.s32 @!p0 $0x0  }
0x12: {  	s1 =	sld [smem:$0x3F99];
	s0 =	simm.s32 @p0 $0x1  }
0x13: {  	[smem:$0x3FB4] =	sst s0;
	s0 =	simm.s32 @!p1 $0x0  }
0x14: {  	s2 =	sld [smem:$0x3F98];
	s0 =	simm.s32 @p1 $0x1  }
0x15: {  	[smem:$0x3FB5] =	sst s0;
	s0 =	simm.s32 @!p2 $0x0  }
0x16: {  	s3 =	sld [smem:$0x3FDB];
	s0 =	simm.s32 @p2 $0x1  }
0x17: {  	s4 =	simm.s32 $0x1BF5;
	[smem:$0x3FB7] =	sst s0  }
0x18: {  	s0 =	sld [smem:$0x3F9A];
	_ =	swait.ge [sflag:s4], $0x0  }
0x19: {  	s7 =	sld [smem:$0x3F9B]  }
0x1a: {  	s8 =	sadd.s32 $0xFFFFE003, lr  }
0x1b: {  	s9 =	sadd.s32 $0xFFFFFEF7, lr;
	s5 =	simm.s32 $0xFFFFFFFF;
	p2 =	slt.u32 s8, $0xFFFFF086  }
0x1c: {  	p1 =	slt.u32 s9, $0xF7A;
	s5 =	simm.s32 @!p2 $0x0  }
0x1d: {  	s5 =	simm.s32 @p1 $0x1;
	p0 =	seq.s32 s7, s2  }
0x1e: {  	s7 =	smul.u32 @!p0 $0xF7A, s2;
	p2 =	seq.s32 @!p0 s5, $0x0  }
0x1f: {  	s9 =	smul.u32 $0xF7A, s1;
	s8 =	simm.s32 @!p0 $0x1BF5;
	p2 =	por !p2, p0  }
0x20: {  	[sflag:s8] =	ssyncset.s32 @!p0 $0xFFFFF086;
	s6 =	sadd.s32 @!p0 s3, s7;
	s7 =	simm.s32 @!p0 $0x108  }
0x21: {  	s3 =	sadd.s32 s3, s9;
	s6 =	sadd.s32 @!p0 $0x88, s6;
	s7 =	simm.s32 @p2 $0x1082  }
0x22: {  	[simem:s7], [sflag:s8] =	dma.local @!p0 [hbm:s6], $0xF7A  }
0x23: {  	s9 =	sor.u32 $0xD0000000, s2;
	s6 =	simm.s32 $0x108;
	_ =	swait.ge @!p0 [sflag:s8], $0x0  }
0x24: {  	s3 =	sadd.s32 $0x88, s3;
	s6 =	simm.s32 @!p1 $0x1082;
	[sflag:s4] =	ssyncset.s32 $0xFFFFF086  }
0x25: {  	[simem:s6], [sflag:s4] =	dma.local [hbm:s3], $0xF7A  }
0x26: {  	[smem:$0x3F9B] =	sst s1;
	(tag) =	ssettag s2;
	_ =	strace s9  }
0x27: {  	s1 =	sld [smem:$0x3FAB]  }
0x28: {  	s2 =	sld [smem:$0x3FAC]  }
0x29: {  	s4 =	sld [smem:$0x3FAE]  }
0x2a: {  	p0 =	seq.s32 s5, $0x0;
	s5 =	sld [smem:$0x3FAF]  }
0x2b: {  	s6 =	sld [smem:$0x3FB0]  }
0x2c: {  	s7 =	sld [smem:$0x3FB1]  }
0x2d: {  	s3 =	simm.s32 $0x108;
	s8 =	sld [smem:$0x3FB2]  }
0x2e: {  	s3 =	simm.s32 @!p0 $0x1082;
	s9 =	sld [smem:$0x3FB3]  }
0x2f: {  	lr =	sadd.s32 s0, s3;
	s0 =	sld [smem:$0x3FAA]  }
0x30: {  	s3 =	sld [smem:$0x3FAD]  }
0x31: {  	[smem:$0x3FB6] =	sst s10  }
0x32: {  	s10 =	sld [smem:$0x3FB4];
	_ =	sdelay $0x3  }
0x33: {  	p0 =	seq.s32 s10, $0x1;
	s10 =	sld [smem:$0x3FB6];
	_ =	sdelay $0x3  }
0x34: {  	[smem:$0x3FB6] =	sst s10  }
0x35: {  	s10 =	sld [smem:$0x3FB5];
	_ =	sdelay $0x3  }
0x36: {  	p1 =	seq.s32 s10, $0x1;
	s10 =	sld [smem:$0x3FB6];
	_ =	sdelay $0x3  }
0x37: {  	[smem:$0x3FB6] =	sst s10  }
0x38: {  	s10 =	sld [smem:$0x3FB7]  }
0x39: {  	_ = 	snop;
	(pc) =	sbr.ind lr, $3  }
0x3a: {  	_ = 	snop  }
0x3b: {  	_ = 	snop  }
0x3c: {  	p2 =	seq.s32 s10, $0x1;
	s10 =	sld [smem:$0x3FB6]  }
0x3d: {  	_ =	shalt  }
0x3e: {  	_ =	shalt  }
0x3f: {  	_ =	shalt  }
0x40: {  	_ =	shalt  }
0x41: {  	_ =	shalt  }
0x42: {  	_ =	shalt  }
0x43: {  	_ =	shalt  }
0x44: {  	_ =	shalt  }
0x45: {  	_ =	shalt  }
0x46: {  	_ =	shalt  }
0x47: {  	_ =	shalt  }
0x48: {  	_ =	shalt  }
0x49: {  	_ =	shalt  }
0x4a: {  	_ =	shalt  }
0x4b: {  	_ =	shalt  }
0x4c: {  	_ =	shalt  }
0x4d: {  	_ =	shalt  }
0x4e: {  	_ =	shalt  }
0x4f: {  	_ =	shalt  }
0x50: {  	_ =	shalt  }
0x51: {  	_ =	shalt  }
0x52: {  	_ =	shalt  }
0x53: {  	_ =	shalt  }
0x54: {  	_ =	shalt  }
0x55: {  	_ =	shalt  }
0x56: {  	_ =	shalt  }
0x57: {  	_ =	shalt  }
0x58: {  	_ =	shalt  }
0x59: {  	_ =	shalt  }
0x5a: {  	_ =	shalt  }
0x5b: {  	_ =	shalt  }
0x5c: {  	_ =	shalt  }
0x5d: {  	_ =	shalt  }
0x5e: {  	_ =	shalt  }
0x5f: {  	_ =	shalt  }
0x60: {  	_ =	shalt  }
0x61: {  	_ =	shalt  }
0x62: {  	_ =	shalt  }
0x63: {  	_ =	shalt  }
0x64: {  	_ =	shalt  }
0x65: {  	_ =	shalt  }
0x66: {  	_ =	shalt  }
0x67: {  	_ =	shalt  }
0x68: {  	_ =	shalt  }
0x69: {  	_ =	shalt  }
0x6a: {  	_ =	shalt  }
0x6b: {  	_ =	shalt  }
0x6c: {  	_ =	shalt  }
0x6d: {  	_ =	shalt  }
0x6e: {  	_ =	shalt  }
0x6f: {  	_ =	shalt  }
0x70: {  	_ =	shalt  }
0x71: {  	_ =	shalt  }
0x72: {  	_ =	shalt  }
0x73: {  	_ =	shalt  }
0x74: {  	_ =	shalt  }
0x75: {  	_ =	shalt  }
0x76: {  	_ =	shalt  }
0x77: {  	_ =	shalt  }
0x78: {  	_ =	shalt  }
0x79: {  	_ =	shalt  }
0x7a: {  	_ =	shalt  }
0x7b: {  	_ =	shalt  }
0x7c: {  	_ =	shalt  }
0x7d: {  	_ =	shalt  }
0x7e: {  	_ =	shalt  }
0x7f: {  	_ =	shalt  }
0x80: {  	_ =	shalt  }
0x81: {  	_ =	shalt  }
0x82: {  	_ =	shalt  }
0x83: {  	_ =	shalt  }
0x84: {  	_ =	shalt  }
0x85: {  	_ =	shalt  }
0x86: {  	_ =	shalt  }
0x87: {  	_ =	shalt  }
.Lfunc_end0:
.L_simem_size_0:
called_computation.1_lowered:
.L_overlay_start_0:
0x88: {  	s2 =	sld [smem:$0x3FD9]  }
0x89: {  	s3 =	sld [smem:$0x3FFE];
	_ =	sdelay $0x1  }
0x8a: {  	s1 =	srdreg.scid  }
0x8b: {  	s0 =	sand.u32 $0x1, s1  }
0x8c: {  	s17 =	sshll.u32 s0, $0xA;
	s2 =	sadd.s32 s3, s2  }
0x8d: {  	s2 =	sadd.s32 s2, s17  }
0x8e: {  	[smem:$0x3FC2] =	sst s2  }
0x8f: {  	_ = 	snop  }
0x90: {  	s2 =	sld [smem:$0x3FD0];
	(tm) =	ssettm $0x1  }
0x91: {  	s18 =	sld [smem:$0x3FFB];
	_ =	sdelay $0x3  }
0x92: {  	_ =	strace s18  }
0x93: {  	s3 =	sld [smem:$0x3FFC];
	_ =	sdelay $0x3  }
0x94: {  	_ =	strace s3  }
0x95: {  	s3 =	sld [smem:$0x3FFD];
	_ =	sdelay $0x3  }
0x96: {  	_ =	strace s3  }
0x97: {  	_ =	strace $0x8FFFFFFF  }
0x98: {  	s19 =	sld [smem:$0x3FDB];
	_ =	sdelay $0x1  }
0x99: {  	s4 =	simm.s32 $_scs_section_size  }
0x9a: {  	s5 =	simm.s32 $_size__tile_overlayer_lowered;
	s6 =	simm.s32 $_tile_overlayer_lowered  }
0x9b: {  	s22 =	simm.s32 $0x1BFF;
	s21 =	sshll.u32 s6, $0x1;
	s3 =	sadd.s32 s4, s19  }
0x9c: {  	s7 =	simm.s32 $0x0;
	s20 =	sshll.u32 s5, $0x1;
	s5 =	sadd.s32 s21, s3  }
0x9d: {  	[timem:s7], [sflag:s22] =	dma.local [hbm:s5], s20  }
0x9e: {  	_ =	swait.ge [sflag:s22], s20  }
0x9f: {  	s4 =	ssub.s32 $0x0, s20;
	[sflag:s22] =	ssyncset.done $0x0  }
0xa0: {  	[sflag:s22] =	ssyncadd.s32 s4;
	_ =	sdelay $0x1  }
0xa1: {  	s23 =	simm.s32 $0x1B8B  }
0xa2: {  	_ =	swait.ge [sflag:s23], $0x1  }
0xa3: {  	[sflag:s23] =	ssyncset.done $0x0  }
0xa4: {  	s25 =	simm.s32 $0x1B8E;
	s24 =	sld [smem:$0x3FFE];
	[sflag:s23] =	ssyncadd.s32 $0xFFFFFFFF  }
0xa5: {  	s26 =	simm.s32 $execute0_lowered;
	[smem:$0x3FD2] =	sst s25  }
0xa6: {  	s5 =	sshll.u32 s26, $0x1;
	_ =	strace $0x80000049;
	[dreg:$0x1] =	wrdreg $0xFFFFFFFF  }
0xa7: {  	s28 =	simm.s32 $_size_execute0_lowered;
	s3 =	sadd.s32 s3, s5;
	[dreg:$0x0] =	wrdreg $0x0  }
0xa8: {  	s5 =	sshll.u32 s28, $0x1;
	[dreg:$0x2] =	wrdreg s3  }
0xa9: {  	[dreg:$0x3] =	wrdreg s5  }
0xaa: {  	[dreg:$0x4] =	wrdreg $0xC0  }
0xab: {  	_ =	task [dreg:s7], $0x5FFFF  }
0xac: {  	[dreg:$0x1] =	wrdreg $0xFFFFFFFF  }
0xad: {  	[dreg:$0x0] =	wrdreg $0x60  }
0xae: {  	[dreg:$0x2] =	wrdreg s2  }
0xaf: {  	[dreg:$0x3] =	wrdreg s24  }
0xb0: {  	[dreg:$0x4] =	wrdreg $0xA8000  }
0xb1: {  	[dreg:$0x5] =	wrdreg $0x9  }
0xb2: {  	_ =	task.clear_ibuf [dreg:s7], $0x6FFFF;
	_ =	strace $0x90000049  }
0xb3: {  	s29 =	simm.s32 $0x9;
	_ =	strace $0x8000004B  }
0xb4: {  	_ =	swait.ge [sflag:s29], $0x1  }
0xb5: {  	[sflag:s29] =	ssyncadd.s32 $0xFFFFFFFF  }
0xb6: {  	_ =	strace $0x9000004B  }
0xb7: {  	_ =	sfence  }
0xb8: {  	s30 =	sld [smem:$0x0];
	_ =	sdelay $0x2  }
0xb9: {  	s31 =	sshll.u32 s1, $0xD;
	s1 =	sshrl.u32 s1, $0x2  }
0xba: {  	s3 =	sand.u32 $0x4000, s31;
	s1 =	sadd.s32 s1, s30  }
0xbb: {  	s0 =	sor.u32 s3, s0;
	s1 =	sshll.u32 s1, $0x11  }
0xbc: {  	s0 =	sor.u32 s1, s0  }
0xbd: {  	s0 =	sadd.s32 $0x8F2B, s0  }
0xbe: {  	[sflag:s0] =	ssyncadd.remote.s32 $0x1  }
0xbf: {  	_ =	sfence.sel $0xFFFF  }
0xc0: {  	[dreg:$0x0] =	wrdreg $0xFFFFFFFF;
	(pc) =	sbr.abs _section_cstart, $3  }
0xc1: {  	[dreg:$0x1] =	wrdreg $0xFFFFFFFF  }
0xc2: {  	_ =	task.clear_ibuf [dreg:s7], $0x2FFFF;
	_ =	strace $0x9FFFFFFF  }
0xc3: {  	(tm) =	ssettm $0x7FFFFFFF  }
tec
execute0_lowered:
.L_overlay_start_1:
0x0: {  	(tag) =	ssettag $0x1  }
0x1: {  	s2 =	rddreg [dreg:$0x0]  }
0x2: {  	s5 =	rddreg [dreg:$0x1]  }
0x3: {  	s3 =	rddreg [dreg:$0x2]  }
0x4: {  	s0 =	rddreg [dreg:$0x3]  }
0x5: {  	s1 =	stileid.u32;
	s4 =	simm.s32 $0x0;
	s7 =	srdreg.scid  }
0x6: {  	s17 =	simm.s32 $0x2800;
	s18 =	simm.s32 $0x6800;
	s19 =	simm.s32 $0x1  }
0x7: {  	s20 =	simm.s32 $0x2;
	s21 =	simm.s32 $0x1480;
	s22 =	simm.s32 $0x3  }
0x8: {  	s23 =	simm.s32 $0x4;
	s24 =	simm.s32 $0x0;
	s6 =	smul.u32 $0x14000, s1  }
0x9: {  	[smem:$0x7FF] =	sst s4;
	s7 =	sand.u32 $0x1, s7;
	s10 =	sadd.s32 $0xC800, s5  }
0xa: {  	s11 =	sadd.s32 $0x2800, s5;
	s26 =	smul.u32 $0x50000, s1;
	s28 =	sshll.u32 s1, $0x6  }
0xb: {  	_ =	strace $0x8000004A;
	s9 =	smul.u32 $0x140000, s7;
	s12 =	sshll.u32 s7, $0x4  }
0xc: {  	s7 =	ssub.s32 $0x2, s7;
	s8 =	sshrl.u32 s6, $0x3;
	s12 =	sor.u32 s1, s12  }
0xd: {  	s13 =	sshrl.u32 s7, $0x1;
	s8 =	sadd.s32 s8, s5;
	s6 =	sadd.s32 s6, s9  }
0xe: {  	s9 =	sshrl.u32 s26, $0x2;
	s14 =	smul.u32 $0x2800, s12;
	s13 =	ssub.s32 s7, s13  }
0xf: {  	s29 =	smul.u32 $0x500, s12;
	s6 =	sshrl.u32 s6, $0x3;
	s16 =	sadd.s32 s9, s3  }
0x10: {  	s12 =	smax.u32 s13, $0x1;
	s15 =	sadd.s32 s6, s5;
	s30 =	sshrl.u32 s14, $0x3  }
0x11: {  	s5 =	sadd.s32 $0x16800, s8;
	s6 =	sor.u32 $0x1C05, s28;
	s7 =	sadd.s32 s10, s29  }
0x12: {  	s8 =	sadd.s32 s11, s29;
	s13 =	sshrl.u32 s16, $0x3;
	s31 =	sadd.s32 $0x280, s30  }
0x13: {  	s14 =	simm.s32 $0x5;
	s16 =	simm.s32 $0x80;
	s9 =	sadd.s32 s10, s31  }
0x14: {  	s10 =	sadd.s32 s11, s31;
	s11 =	sadd.s32 $0x3E800, s15;
	s15 =	simm.s32 $0x1400  }
.LBB2_1:
0x15: {  	[spmem:s13], [sflag:s6] =	dma.local [hbm:s5], $0x2800  }
0x16: {  	_ =	swait.ge [sflag:s14], $0x2800  }
0x17: {  	[sflag:s14] =	ssyncset.done $0x0  }
0x18: {  	[sflag:s14] =	ssyncadd.s32 $0xFFFFD800  }
0x19: {  	[bflag:$0x0] =	sbarrier.arrive $0xFFFF  }
0x1a: {  	[tilespmem:s4], [sflag:$0x5] =	stream.linear.gather [hbm4b:s7+s4], $0x1400, $0x38;
	[tilespmem:$0x1E800] =	vst v63  }
0x1b: {  	_ =	swait.ge [sflag:s14], $0x1400  }
0x1c: {  	[sflag:s14] =	ssyncset.done $0x0  }
0x1d: {  	[sflag:s14] =	ssyncadd.s32 $0xFFFFEC00  }
0x1e: {  	[tilespmem:s15], [sflag:$0x5] =	stream.linear.gather [hbm4b:s8+s4], $0x1400, $0x38;
	[tilespmem:$0x1E800] =	vst v63  }
0x1f: {  	_ =	swait.ge [sflag:s14], $0x1400  }
0x20: {  	[sflag:s14] =	ssyncset.done $0x0  }
0x21: {  	[sflag:s14] =	ssyncadd.s32 $0xFFFFEC00  }
0x22: {  	[tilespmem:s17], [sflag:$0x1] =	stream.indirect.gather [hbm4b:s2+s16], $0x80, s4, s16, $0xb8;
	[tilespmem:$0x1E800] =	vst v63  }
0x23: {  	_ = 	snop  }
0x24: {  	[tilespmem:s18], [sflag:$0x2] =	stream.indirect.gather [hbm4b:s2+s16], $0x80, s16, s16, $0xb8;
	[tilespmem:$0x1E800] =	vst v63  }
0x25: {  	_ =	swait.ge [sflag:s19], $0x4000  }
0x26: {  	[sflag:s19] =	ssyncset.done $0x0  }
0x27: {  	[sflag:s19] =	ssyncadd.s32 $0xFFFFC000  }
0x28: {  	[spmem:s3] =	stream.indirect.scatter.add.f32 [tilespmem:s17], [sflag:$0x3], $0x80, s15, s16, $0xb8;
	[tilespmem:$0x1E800] =	vst v63  }
0x29: {  	_ =	swait.ge [sflag:s20], $0x4000  }
0x2a: {  	[sflag:s20] =	ssyncset.done $0x0  }
0x2b: {  	[sflag:s20] =	ssyncadd.s32 $0xFFFFC000  }
0x2c: {  	[spmem:s3] =	stream.indirect.scatter.add.f32 [tilespmem:s18], [sflag:$0x4], $0x80, s21, s16, $0xb8;
	[tilespmem:$0x1E800] =	vst v63  }
0x2d: {  	_ =	swait.ge [sflag:s22], $0x4000  }
0x2e: {  	[sflag:s22] =	ssyncset.done $0x0  }
0x2f: {  	s25 =	simm.s32 $0x100;
	[sflag:s22] =	ssyncadd.s32 $0xFFFFC000  }
0x30: {  	[tilespmem:s17], [sflag:$0x1] =	stream.indirect.gather [hbm4b:s2+s16], $0x80, s25, s16, $0xb8;
	[tilespmem:$0x1E800] =	vst v63  }
0x31: {  	_ =	swait.ge [sflag:s23], $0x4000  }
0x32: {  	[sflag:s23] =	ssyncset.done $0x0  }
0x33: {  	s30 =	simm.s32 $0x180;
	[sflag:s23] =	ssyncadd.s32 $0xFFFFC000  }
0x34: {  	[tilespmem:s18], [sflag:$0x2] =	stream.indirect.gather [hbm4b:s2+s16], $0x80, s30, s16, $0xb8;
	[tilespmem:$0x1E800] =	vst v63  }
0x35: {  	_ =	swait.ge [sflag:s19], $0x4000  }
0x36: {  	[sflag:s19] =	ssyncset.done $0x0  }
0x37: {  	s31 =	simm.s32 $0x1500;
	[sflag:s19] =	ssyncadd.s32 $0xFFFFC000  }
0x38: {  	[spmem:s3] =	stream.indirect.scatter.add.f32 [tilespmem:s17], [sflag:$0x3], $0x80, s31, s16, $0xb8;
	[tilespmem:$0x1E800] =	vst v63  }
0x39: {  	_ =	swait.ge [sflag:s20], $0x4000  }
0x3a: {  	[sflag:s20] =	ssyncset.done $0x0  }
0x3b: {  	s26 =	simm.s32 $0x1580;
	s25 =	simm.s32 $0xFFFFB800;
	[sflag:s20] =	ssyncadd.s32 $0xFFFFC000  }
.LBB2_2:
0x3c: {  	[spmem:s3] =	stream.indirect.scatter.add.f32 [tilespmem:s18], [sflag:$0x4], $0x80, s26, s16, $0xb8;
	[tilespmem:$0x1E800] =	vst v63  }
0x3d: {  	s26 =	smov.u32 s25  }
0x3e: {  	p0 =	sne.s32 s25, $0xFFFFFC00;
	s25 =	sadd.s32 $0x400, s25;
	_ =	swait.ge [sflag:s22], $0x4000  }
0x3f: {  	s26 =	sshra.s32 s26, $0x2;
	[sflag:s22] =	ssyncset.done $0x0  }
0x40: {  	s28 =	sadd.s32 $0x1400, s26;
	[sflag:s22] =	ssyncadd.s32 $0xFFFFC000  }
0x41: {  	[tilespmem:s17], [sflag:$0x1] =	stream.indirect.gather [hbm4b:s2+s16], $0x80, s28, s16, $0xb8;
	[tilespmem:$0x1E800] =	vst v63  }
0x42: {  	_ =	swait.ge [sflag:s23], $0x4000  }
0x43: {  	[sflag:s23] =	ssyncset.done $0x0  }
0x44: {  	s28 =	sadd.s32 $0x1480, s26;
	[sflag:s23] =	ssyncadd.s32 $0xFFFFC000  }
0x45: {  	[tilespmem:s18], [sflag:$0x2] =	stream.indirect.gather [hbm4b:s2+s16], $0x80, s28, s16, $0xb8;
	[tilespmem:$0x1E800] =	vst v63  }
0x46: {  	_ =	swait.ge [sflag:s19], $0x4000  }
0x47: {  	[sflag:s19] =	ssyncset.done $0x0  }
.Ltmp0:
0x48: {  	s28 =	sadd.s32 $0x2800, s26;
	[sflag:s19] =	ssyncadd.s32 $0xFFFFC000;
	(pc) =	sbr.rel @p0 .LBB2_2-.Ltmp0, $4  }
0x49: {  	[spmem:s3] =	stream.indirect.scatter.add.f32 [tilespmem:s17], [sflag:$0x3], $0x80, s28, s16, $0xb8;
	[tilespmem:$0x1E800] =	vst v63  }
0x4a: {  	_ =	swait.ge [sflag:s20], $0x4000  }
0x4b: {  	[sflag:s20] =	ssyncset.done $0x0  }
0x4c: {  	s26 =	sadd.s32 $0x2880, s26;
	[sflag:s20] =	ssyncadd.s32 $0xFFFFC000  }
0x4d: {  	[spmem:s3] =	stream.indirect.scatter.add.f32 [tilespmem:s18], [sflag:$0x4], $0x80, s26, s16, $0xb8;
	[tilespmem:$0x1E800] =	vst v63  }
0x4e: {  	_ =	swait.ge [sflag:s22], $0x4000  }
0x4f: {  	[sflag:s22] =	ssyncset.done $0x0  }
0x50: {  	[sflag:s22] =	ssyncadd.s32 $0xFFFFC000  }
0x51: {  	_ =	swait.ge [sflag:s23], $0x4000  }
0x52: {  	[sflag:s23] =	ssyncset.done $0x0  }
0x53: {  	[sflag:s23] =	ssyncadd.s32 $0xFFFFC000  }
0x54: {  	[tilespmem:s4], [sflag:$0x5] =	stream.linear.gather [hbm4b:s9+s4], $0x1400, $0x38;
	[tilespmem:$0x1E800] =	vst v63  }
0x55: {  	_ =	swait.ge [sflag:s14], $0x1400  }
0x56: {  	[sflag:s14] =	ssyncset.done $0x0  }
0x57: {  	[sflag:s14] =	ssyncadd.s32 $0xFFFFEC00  }
0x58: {  	[tilespmem:s15], [sflag:$0x5] =	stream.linear.gather [hbm4b:s10+s4], $0x1400, $0x38;
	[tilespmem:$0x1E800] =	vst v63  }
0x59: {  	_ =	swait.ge [sflag:s14], $0x1400  }
0x5a: {  	[sflag:s14] =	ssyncset.done $0x0  }
0x5b: {  	[sflag:s14] =	ssyncadd.s32 $0xFFFFEC00  }
0x5c: {  	[tilespmem:s17], [sflag:$0x1] =	stream.indirect.gather [hbm4b:s2+s16], $0x80, s4, s16, $0xb8;
	[tilespmem:$0x1E800] =	vst v63  }
0x5d: {  	_ = 	snop  }
0x5e: {  	[tilespmem:s18], [sflag:$0x2] =	stream.indirect.gather [hbm4b:s2+s16], $0x80, s16, s16, $0xb8;
	[tilespmem:$0x1E800] =	vst v63  }
0x5f: {  	_ =	swait.ge [sflag:s19], $0x4000  }
0x60: {  	[sflag:s19] =	ssyncset.done $0x0  }
0x61: {  	[sflag:s19] =	ssyncadd.s32 $0xFFFFC000  }
0x62: {  	[spmem:s3] =	stream.indirect.scatter.add.f32 [tilespmem:s17], [sflag:$0x3], $0x80, s15, s16, $0xb8;
	[tilespmem:$0x1E800] =	vst v63  }
0x63: {  	_ =	swait.ge [sflag:s20], $0x4000  }
0x64: {  	[sflag:s20] =	ssyncset.done $0x0  }
0x65: {  	[sflag:s20] =	ssyncadd.s32 $0xFFFFC000  }
0x66: {  	[spmem:s3] =	stream.indirect.scatter.add.f32 [tilespmem:s18], [sflag:$0x4], $0x80, s21, s16, $0xb8;
	[tilespmem:$0x1E800] =	vst v63  }
0x67: {  	_ =	swait.ge [sflag:s22], $0x4000  }
0x68: {  	[sflag:s22] =	ssyncset.done $0x0  }
0x69: {  	s25 =	simm.s32 $0x100;
	[sflag:s22] =	ssyncadd.s32 $0xFFFFC000  }
0x6a: {  	[tilespmem:s17], [sflag:$0x1] =	stream.indirect.gather [hbm4b:s2+s16], $0x80, s25, s16, $0xb8;
	[tilespmem:$0x1E800] =	vst v63  }
0x6b: {  	_ =	swait.ge [sflag:s23], $0x4000  }
0x6c: {  	[sflag:s23] =	ssyncset.done $0x0  }
0x6d: {  	s30 =	simm.s32 $0x180;
	[sflag:s23] =	ssyncadd.s32 $0xFFFFC000  }
0x6e: {  	[tilespmem:s18], [sflag:$0x2] =	stream.indirect.gather [hbm4b:s2+s16], $0x80, s30, s16, $0xb8;
	[tilespmem:$0x1E800] =	vst v63  }
0x6f: {  	_ =	swait.ge [sflag:s19], $0x4000  }
0x70: {  	[sflag:s19] =	ssyncset.done $0x0  }
0x71: {  	s31 =	simm.s32 $0x1500;
	[sflag:s19] =	ssyncadd.s32 $0xFFFFC000  }
0x72: {  	[spmem:s3] =	stream.indirect.scatter.add.f32 [tilespmem:s17], [sflag:$0x3], $0x80, s31, s16, $0xb8;
	[tilespmem:$0x1E800] =	vst v63  }
0x73: {  	_ =	swait.ge [sflag:s20], $0x4000  }
0x74: {  	[sflag:s20] =	ssyncset.done $0x0  }
0x75: {  	s26 =	simm.s32 $0x1580;
	s25 =	simm.s32 $0xFFFFB800;
	[sflag:s20] =	ssyncadd.s32 $0xFFFFC000  }
.LBB2_4:
0x76: {  	[spmem:s3] =	stream.indirect.scatter.add.f32 [tilespmem:s18], [sflag:$0x4], $0x80, s26, s16, $0xb8;
	[tilespmem:$0x1E800] =	vst v63  }
0x77: {  	s26 =	smov.u32 s25  }
0x78: {  	p0 =	sne.s32 s25, $0xFFFFFC00;
	s25 =	sadd.s32 $0x400, s25;
	_ =	swait.ge [sflag:s22], $0x4000  }
0x79: {  	s26 =	sshra.s32 s26, $0x2;
	[sflag:s22] =	ssyncset.done $0x0  }
0x7a: {  	s28 =	sadd.s32 $0x1400, s26;
	[sflag:s22] =	ssyncadd.s32 $0xFFFFC000  }
0x7b: {  	[tilespmem:s17], [sflag:$0x1] =	stream.indirect.gather [hbm4b:s2+s16], $0x80, s28, s16, $0xb8;
	[tilespmem:$0x1E800] =	vst v63  }
0x7c: {  	_ =	swait.ge [sflag:s23], $0x4000  }
0x7d: {  	[sflag:s23] =	ssyncset.done $0x0  }
0x7e: {  	s28 =	sadd.s32 $0x1480, s26;
	[sflag:s23] =	ssyncadd.s32 $0xFFFFC000  }
0x7f: {  	[tilespmem:s18], [sflag:$0x2] =	stream.indirect.gather [hbm4b:s2+s16], $0x80, s28, s16, $0xb8;
	[tilespmem:$0x1E800] =	vst v63  }
0x80: {  	_ =	swait.ge [sflag:s19], $0x4000  }
0x81: {  	[sflag:s19] =	ssyncset.done $0x0  }
.Ltmp1:
0x82: {  	s28 =	sadd.s32 $0x2800, s26;
	[sflag:s19] =	ssyncadd.s32 $0xFFFFC000;
	(pc) =	sbr.rel @p0 .LBB2_4-.Ltmp1, $4  }
0x83: {  	[spmem:s3] =	stream.indirect.scatter.add.f32 [tilespmem:s17], [sflag:$0x3], $0x80, s28, s16, $0xb8;
	[tilespmem:$0x1E800] =	vst v63  }
0x84: {  	_ =	swait.ge [sflag:s20], $0x4000  }
0x85: {  	[sflag:s20] =	ssyncset.done $0x0  }
0x86: {  	s26 =	sadd.s32 $0x2880, s26;
	[sflag:s20] =	ssyncadd.s32 $0xFFFFC000  }
0x87: {  	[spmem:s3] =	stream.indirect.scatter.add.f32 [tilespmem:s18], [sflag:$0x4], $0x80, s26, s16, $0xb8;
	[tilespmem:$0x1E800] =	vst v63  }
0x88: {  	_ =	swait.ge [sflag:s22], $0x4000  }
0x89: {  	[sflag:s22] =	ssyncset.done $0x0  }
0x8a: {  	[sflag:s22] =	ssyncadd.s32 $0xFFFFC000  }
0x8b: {  	_ =	swait.ge [sflag:s23], $0x4000  }
0x8c: {  	s24 =	sadd.s32 $0x1, s24;
	[sflag:s23] =	ssyncset.done $0x0  }
0x8d: {  	p0 =	sne.s32 s24, s12;
	[sflag:s23] =	ssyncadd.s32 $0xFFFFC000  }
.Ltmp2:
0x8e: {  	[bflag:$0x0] =	sbarrier.arrive $0xFFFF;
	(pc) =	sbr.rel @p0 .LBB2_1-.Ltmp2, $4  }
0x8f: {  	[hbm:s11], [sflag:s6] =	dma.local [spmem:s13], $0x2800  }
0x90: {  	_ =	swait.ge [sflag:s14], $0x2800  }
0x91: {  	[sflag:s14] =	ssyncset.done $0x0  }
0x92: {  	[sflag:s14] =	ssyncadd.s32 $0xFFFFD800  }
0x93: {  	_ =	sfence.sel $0x180000  }
0x94: {  	[bflag:$0x0] =	sbarrier.arrive $0xFFFF  }
0x95: {  	p0 =	sne.s32 s1, $0x0;
	_ =	strace $0x9000004A  }
0x96: {  	s0 =	sadd.s32 @!p0 $0x100000, s0;
	[bflag:$0x2] =	sbarrier.arrive $0xFFFF  }
0x97: {  	[sflag:s0] =	ssyncadd.tile.s32 @!p0 $0x1;
	_ =	shalt  }
.Lfunc_end2:
_tile_overlayer_lowered:
.L_overlay_start_2:
0x98: {  	(tag) =	ssettag $0x2  }
0x99: {  	s0 =	rddreg [dreg:$0x0];
	s2 =	stileid.u32  }
0x9a: {  	s1 =	rddreg [dreg:$0x1];
	p0 =	sne.s32 s2, $0x0  }
0x9b: {  	s3 =	rddreg [dreg:$0x2];
	[bflag:$0x3] =	sbarrier.arrive $0xFFFF;
	s2 =	simm.s32 @!p0 $0x1C05  }
0x9c: {  	[timem:s3], [sflag:s2] =	dma.local @!p0 [hbm:s0], s1  }
0x9d: {  	s0 =	simm.s32 @!p0 $0x5  }
0x9e: {  	_ =	swait.ge @!p0 [sflag:s0], s1  }
0x9f: {  	s1 =	ssub.s32 @!p0 $0x0, s1;
	[sflag:s0] =	ssyncset.done @!p0 $0x0  }
0xa0: {  	[sflag:s0] =	ssyncadd.s32 @!p0 s1  }
0xa1: {  	[bflag:$0x3] =	sbarrier.arrive $0xFFFF  }
0xa2: {  	_ =	shalt  }

// kernel: kernel.15.cloned.1.call-start
scs
__scs_entry_jumppad:
0x0: {  	(pc) =	sbr.rel $0x88, $3  }
0x1: {  	(tag) =	ssettag $0x0;
	lr =	simm.s32 $0x1  }
0x2: {  	[smem:$0x3F9B] =	sst lr;
	_ =	strace $0xD0000000  }
0x3: {  	_ = 	snop  }
0x4: {  	_ = 	snop  }
0x5: {  	_ = 	snop  }
0x6: {  	_ = 	snop  }
0x7: {  	_ = 	snop  }
__scs_overlays_trampoline_lowered:
0x8: {  	[smem:$0x3FAA] =	sst s0  }
0x9: {  	[smem:$0x3FAB] =	sst s1  }
0xa: {  	[smem:$0x3FAC] =	sst s2  }
0xb: {  	[smem:$0x3FAD] =	sst s3  }
0xc: {  	[smem:$0x3FAE] =	sst s4  }
0xd: {  	[smem:$0x3FAF] =	sst s5  }
0xe: {  	[smem:$0x3FB0] =	sst s6  }
0xf: {  	[smem:$0x3FB1] =	sst s7  }
0x10: {  	[smem:$0x3FB2] =	sst s8  }
0x11: {  	[smem:$0x3FB3] =	sst s9;
	s0 =	simm.s32 @!p0 $0x0  }
0x12: {  	s1 =	sld [smem:$0x3F99];
	s0 =	simm.s32 @p0 $0x1  }
0x13: {  	[smem:$0x3FB4] =	sst s0;
	s0 =	simm.s32 @!p1 $0x0  }
0x14: {  	s2 =	sld [smem:$0x3F98];
	s0 =	simm.s32 @p1 $0x1  }
0x15: {  	[smem:$0x3FB5] =	sst s0;
	s0 =	simm.s32 @!p2 $0x0  }
0x16: {  	s3 =	sld [smem:$0x3FDB];
	s0 =	simm.s32 @p2 $0x1  }
0x17: {  	s4 =	simm.s32 $0x1BF5;
	[smem:$0x3FB7] =	sst s0  }
0x18: {  	s0 =	sld [smem:$0x3F9A];
	_ =	swait.ge [sflag:s4], $0x0  }
0x19: {  	s7 =	sld [smem:$0x3F9B]  }
0x1a: {  	s8 =	sadd.s32 $0xFFFFE003, lr  }
0x1b: {  	s9 =	sadd.s32 $0xFFFFFEF7, lr;
	s5 =	simm.s32 $0xFFFFFFFF;
	p2 =	slt.u32 s8, $0xFFFFF086  }
0x1c: {  	p1 =	slt.u32 s9, $0xF7A;
	s5 =	simm.s32 @!p2 $0x0  }
0x1d: {  	s5 =	simm.s32 @p1 $0x1;
	p0 =	seq.s32 s7, s2  }
0x1e: {  	s7 =	smul.u32 @!p0 $0xF7A, s2;
	p2 =	seq.s32 @!p0 s5, $0x0  }
0x1f: {  	s9 =	smul.u32 $0xF7A, s1;
	s8 =	simm.s32 @!p0 $0x1BF5;
	p2 =	por !p2, p0  }
0x20: {  	[sflag:s8] =	ssyncset.s32 @!p0 $0xFFFFF086;
	s6 =	sadd.s32 @!p0 s3, s7;
	s7 =	simm.s32 @!p0 $0x108  }
0x21: {  	s3 =	sadd.s32 s3, s9;
	s6 =	sadd.s32 @!p0 $0x88, s6;
	s7 =	simm.s32 @p2 $0x1082  }
0x22: {  	[simem:s7], [sflag:s8] =	dma.local @!p0 [hbm:s6], $0xF7A  }
0x23: {  	s9 =	sor.u32 $0xD0000000, s2;
	s6 =	simm.s32 $0x108;
	_ =	swait.ge @!p0 [sflag:s8], $0x0  }
0x24: {  	s3 =	sadd.s32 $0x88, s3;
	s6 =	simm.s32 @!p1 $0x1082;
	[sflag:s4] =	ssyncset.s32 $0xFFFFF086  }
0x25: {  	[simem:s6], [sflag:s4] =	dma.local [hbm:s3], $0xF7A  }
0x26: {  	[smem:$0x3F9B] =	sst s1;
	(tag) =	ssettag s2;
	_ =	strace s9  }
0x27: {  	s1 =	sld [smem:$0x3FAB]  }
0x28: {  	s2 =	sld [smem:$0x3FAC]  }
0x29: {  	s4 =	sld [smem:$0x3FAE]  }
0x2a: {  	p0 =	seq.s32 s5, $0x0;
	s5 =	sld [smem:$0x3FAF]  }
0x2b: {  	s6 =	sld [smem:$0x3FB0]  }
0x2c: {  	s7 =	sld [smem:$0x3FB1]  }
0x2d: {  	s3 =	simm.s32 $0x108;
	s8 =	sld [smem:$0x3FB2]  }
0x2e: {  	s3 =	simm.s32 @!p0 $0x1082;
	s9 =	sld [smem:$0x3FB3]  }
0x2f: {  	lr =	sadd.s32 s0, s3;
	s0 =	sld [smem:$0x3FAA]  }
0x30: {  	s3 =	sld [smem:$0x3FAD]  }
0x31: {  	[smem:$0x3FB6] =	sst s10  }
0x32: {  	s10 =	sld [smem:$0x3FB4];
	_ =	sdelay $0x3  }
0x33: {  	p0 =	seq.s32 s10, $0x1;
	s10 =	sld [smem:$0x3FB6];
	_ =	sdelay $0x3  }
0x34: {  	[smem:$0x3FB6] =	sst s10  }
0x35: {  	s10 =	sld [smem:$0x3FB5];
	_ =	sdelay $0x3  }
0x36: {  	p1 =	seq.s32 s10, $0x1;
	s10 =	sld [smem:$0x3FB6];
	_ =	sdelay $0x3  }
0x37: {  	[smem:$0x3FB6] =	sst s10  }
0x38: {  	s10 =	sld [smem:$0x3FB7]  }
0x39: {  	_ = 	snop;
	(pc) =	sbr.ind lr, $3  }
0x3a: {  	_ = 	snop  }
0x3b: {  	_ = 	snop  }
0x3c: {  	p2 =	seq.s32 s10, $0x1;
	s10 =	sld [smem:$0x3FB6]  }
0x3d: {  	_ =	shalt  }
0x3e: {  	_ =	shalt  }
0x3f: {  	_ =	shalt  }
0x40: {  	_ =	shalt  }
0x41: {  	_ =	shalt  }
0x42: {  	_ =	shalt  }
0x43: {  	_ =	shalt  }
0x44: {  	_ =	shalt  }
0x45: {  	_ =	shalt  }
0x46: {  	_ =	shalt  }
0x47: {  	_ =	shalt  }
0x48: {  	_ =	shalt  }
0x49: {  	_ =	shalt  }
0x4a: {  	_ =	shalt  }
0x4b: {  	_ =	shalt  }
0x4c: {  	_ =	shalt  }
0x4d: {  	_ =	shalt  }
0x4e: {  	_ =	shalt  }
0x4f: {  	_ =	shalt  }
0x50: {  	_ =	shalt  }
0x51: {  	_ =	shalt  }
0x52: {  	_ =	shalt  }
0x53: {  	_ =	shalt  }
0x54: {  	_ =	shalt  }
0x55: {  	_ =	shalt  }
0x56: {  	_ =	shalt  }
0x57: {  	_ =	shalt  }
0x58: {  	_ =	shalt  }
0x59: {  	_ =	shalt  }
0x5a: {  	_ =	shalt  }
0x5b: {  	_ =	shalt  }
0x5c: {  	_ =	shalt  }
0x5d: {  	_ =	shalt  }
0x5e: {  	_ =	shalt  }
0x5f: {  	_ =	shalt  }
0x60: {  	_ =	shalt  }
0x61: {  	_ =	shalt  }
0x62: {  	_ =	shalt  }
0x63: {  	_ =	shalt  }
0x64: {  	_ =	shalt  }
0x65: {  	_ =	shalt  }
0x66: {  	_ =	shalt  }
0x67: {  	_ =	shalt  }
0x68: {  	_ =	shalt  }
0x69: {  	_ =	shalt  }
0x6a: {  	_ =	shalt  }
0x6b: {  	_ =	shalt  }
0x6c: {  	_ =	shalt  }
0x6d: {  	_ =	shalt  }
0x6e: {  	_ =	shalt  }
0x6f: {  	_ =	shalt  }
0x70: {  	_ =	shalt  }
0x71: {  	_ =	shalt  }
0x72: {  	_ =	shalt  }
0x73: {  	_ =	shalt  }
0x74: {  	_ =	shalt  }
0x75: {  	_ =	shalt  }
0x76: {  	_ =	shalt  }
0x77: {  	_ =	shalt  }
0x78: {  	_ =	shalt  }
0x79: {  	_ =	shalt  }
0x7a: {  	_ =	shalt  }
0x7b: {  	_ =	shalt  }
0x7c: {  	_ =	shalt  }
0x7d: {  	_ =	shalt  }
0x7e: {  	_ =	shalt  }
0x7f: {  	_ =	shalt  }
0x80: {  	_ =	shalt  }
0x81: {  	_ =	shalt  }
0x82: {  	_ =	shalt  }
0x83: {  	_ =	shalt  }
0x84: {  	_ =	shalt  }
0x85: {  	_ =	shalt  }
0x86: {  	_ =	shalt  }
0x87: {  	_ =	shalt  }
.Lfunc_end0:
.L_simem_size_0:
called_computation.2_lowered:
.L_overlay_start_0:
0x88: {  	s2 =	sld [smem:$0x3FD9]  }
0x89: {  	s3 =	sld [smem:$0x3FFE];
	_ =	sdelay $0x1  }
0x8a: {  	s1 =	srdreg.scid  }
0x8b: {  	s0 =	sand.u32 $0x1, s1  }
0x8c: {  	s17 =	sshll.u32 s0, $0xA;
	s2 =	sadd.s32 s3, s2  }
0x8d: {  	s2 =	sadd.s32 s2, s17  }
0x8e: {  	[smem:$0x3FC2] =	sst s2  }
0x8f: {  	_ = 	snop  }
0x90: {  	s2 =	sld [smem:$0x3FD0];
	(tm) =	ssettm $0x1  }
0x91: {  	s18 =	sld [smem:$0x3FFB];
	_ =	sdelay $0x3  }
0x92: {  	_ =	strace s18  }
0x93: {  	s3 =	sld [smem:$0x3FFC];
	_ =	sdelay $0x3  }
0x94: {  	_ =	strace s3  }
0x95: {  	s3 =	sld [smem:$0x3FFD];
	_ =	sdelay $0x3  }
0x96: {  	_ =	strace s3  }
0x97: {  	_ =	strace $0x8FFFFFFF  }
0x98: {  	s19 =	sld [smem:$0x3FDB];
	_ =	sdelay $0x1  }
0x99: {  	s4 =	simm.s32 $_scs_section_size  }
0x9a: {  	s5 =	simm.s32 $_size__tile_overlayer_lowered;
	s6 =	simm.s32 $_tile_overlayer_lowered  }
0x9b: {  	s22 =	simm.s32 $0x1BFF;
	s21 =	sshll.u32 s6, $0x1;
	s3 =	sadd.s32 s4, s19  }
0x9c: {  	s7 =	simm.s32 $0x0;
	s20 =	sshll.u32 s5, $0x1;
	s5 =	sadd.s32 s21, s3  }
0x9d: {  	[timem:s7], [sflag:s22] =	dma.local [hbm:s5], s20  }
0x9e: {  	_ =	swait.ge [sflag:s22], s20  }
0x9f: {  	s4 =	ssub.s32 $0x0, s20;
	[sflag:s22] =	ssyncset.done $0x0  }
0xa0: {  	[sflag:s22] =	ssyncadd.s32 s4;
	_ =	sdelay $0x1  }
0xa1: {  	s23 =	simm.s32 $0x1B8B  }
0xa2: {  	_ =	swait.ge [sflag:s23], $0x1  }
0xa3: {  	[sflag:s23] =	ssyncset.done $0x0  }
0xa4: {  	s25 =	simm.s32 $0x1B8E;
	s24 =	sld [smem:$0x3FFE];
	[sflag:s23] =	ssyncadd.s32 $0xFFFFFFFF  }
0xa5: {  	s26 =	simm.s32 $execute0_lowered;
	[smem:$0x3FD2] =	sst s25  }
0xa6: {  	s5 =	sshll.u32 s26, $0x1;
	_ =	strace $0x8000004C;
	[dreg:$0x1] =	wrdreg $0xFFFFFFFF  }
0xa7: {  	s28 =	simm.s32 $_size_execute0_lowered;
	s3 =	sadd.s32 s3, s5;
	[dreg:$0x0] =	wrdreg $0x0  }
0xa8: {  	s5 =	sshll.u32 s28, $0x1;
	[dreg:$0x2] =	wrdreg s3  }
0xa9: {  	[dreg:$0x3] =	wrdreg s5  }
0xaa: {  	[dreg:$0x4] =	wrdreg $0xC0  }
0xab: {  	_ =	task [dreg:s7], $0x5FFFF  }
0xac: {  	[dreg:$0x1] =	wrdreg $0xFFFFFFFF  }
0xad: {  	[dreg:$0x0] =	wrdreg $0x60  }
0xae: {  	[dreg:$0x2] =	wrdreg s2  }
0xaf: {  	[dreg:$0x3] =	wrdreg s24  }
0xb0: {  	[dreg:$0x4] =	wrdreg $0xA8000  }
0xb1: {  	[dreg:$0x5] =	wrdreg $0x9  }
0xb2: {  	_ =	task.clear_ibuf [dreg:s7], $0x6FFFF;
	_ =	strace $0x9000004C  }
0xb3: {  	s29 =	simm.s32 $0x9;
	_ =	strace $0x8000004E  }
0xb4: {  	_ =	swait.ge [sflag:s29], $0x1  }
0xb5: {  	[sflag:s29] =	ssyncadd.s32 $0xFFFFFFFF  }
0xb6: {  	_ =	strace $0x9000004E  }
0xb7: {  	_ =	sfence  }
0xb8: {  	s30 =	sld [smem:$0x0];
	_ =	sdelay $0x2  }
0xb9: {  	s31 =	sshll.u32 s1, $0xD;
	s1 =	sshrl.u32 s1, $0x2  }
0xba: {  	s3 =	sand.u32 $0x4000, s31;
	s1 =	sadd.s32 s1, s30  }
0xbb: {  	s0 =	sor.u32 s3, s0;
	s1 =	sshll.u32 s1, $0x11  }
0xbc: {  	s0 =	sor.u32 s1, s0  }
0xbd: {  	s0 =	sadd.s32 $0x8F2B, s0  }
0xbe: {  	[sflag:s0] =	ssyncadd.remote.s32 $0x1  }
0xbf: {  	_ =	sfence.sel $0xFFFF  }
0xc0: {  	[dreg:$0x0] =	wrdreg $0xFFFFFFFF;
	(pc) =	sbr.abs _section_cstart, $3  }
0xc1: {  	[dreg:$0x1] =	wrdreg $0xFFFFFFFF  }
0xc2: {  	_ =	task.clear_ibuf [dreg:s7], $0x2FFFF;
	_ =	strace $0x9FFFFFFF  }
0xc3: {  	(tm) =	ssettm $0x7FFFFFFF  }
tec
execute0_lowered:
.L_overlay_start_1:
0x0: {  	(tag) =	ssettag $0x1  }
0x1: {  	s2 =	rddreg [dreg:$0x0]  }
0x2: {  	s5 =	rddreg [dreg:$0x1]  }
0x3: {  	s3 =	rddreg [dreg:$0x2]  }
0x4: {  	s0 =	rddreg [dreg:$0x3]  }
0x5: {  	s1 =	stileid.u32;
	s4 =	simm.s32 $0x0;
	s7 =	srdreg.scid  }
0x6: {  	s17 =	simm.s32 $0x2800;
	s18 =	simm.s32 $0x6800;
	s19 =	simm.s32 $0x1  }
0x7: {  	s20 =	simm.s32 $0x2;
	s21 =	simm.s32 $0x1480;
	s22 =	simm.s32 $0x3  }
0x8: {  	s23 =	simm.s32 $0x4;
	s24 =	simm.s32 $0x0;
	s6 =	smul.u32 $0x14000, s1  }
0x9: {  	[smem:$0x7FF] =	sst s4;
	s7 =	sand.u32 $0x1, s7;
	s10 =	sadd.s32 $0xC800, s5  }
0xa: {  	s11 =	sadd.s32 $0x2800, s5;
	s26 =	smul.u32 $0x50000, s1;
	s28 =	sshll.u32 s1, $0x6  }
0xb: {  	_ =	strace $0x8000004D;
	s9 =	smul.u32 $0x140000, s7;
	s12 =	sshll.u32 s7, $0x4  }
0xc: {  	s7 =	ssub.s32 $0x2, s7;
	s8 =	sshrl.u32 s6, $0x3;
	s12 =	sor.u32 s1, s12  }
0xd: {  	s13 =	sshrl.u32 s7, $0x1;
	s8 =	sadd.s32 s8, s5;
	s6 =	sadd.s32 s6, s9  }
0xe: {  	s9 =	sshrl.u32 s26, $0x2;
	s14 =	smul.u32 $0x2800, s12;
	s13 =	ssub.s32 s7, s13  }
0xf: {  	s29 =	smul.u32 $0x500, s12;
	s6 =	sshrl.u32 s6, $0x3;
	s16 =	sadd.s32 s9, s3  }
0x10: {  	s12 =	smax.u32 s13, $0x1;
	s15 =	sadd.s32 s6, s5;
	s30 =	sshrl.u32 s14, $0x3  }
0x11: {  	s5 =	sadd.s32 $0x16800, s8;
	s6 =	sor.u32 $0x1C05, s28;
	s7 =	sadd.s32 s10, s29  }
0x12: {  	s8 =	sadd.s32 s11, s29;
	s13 =	sshrl.u32 s16, $0x3;
	s31 =	sadd.s32 $0x280, s30  }
0x13: {  	s14 =	simm.s32 $0x5;
	s16 =	simm.s32 $0x80;
	s9 =	sadd.s32 s10, s31  }
0x14: {  	s10 =	sadd.s32 s11, s31;
	s11 =	sadd.s32 $0x3E800, s15;
	s15 =	simm.s32 $0x1400  }
.LBB2_1:
0x15: {  	[spmem:s13], [sflag:s6] =	dma.local [hbm:s5], $0x2800  }
0x16: {  	_ =	swait.ge [sflag:s14], $0x2800  }
0x17: {  	[sflag:s14] =	ssyncset.done $0x0  }
0x18: {  	[sflag:s14] =	ssyncadd.s32 $0xFFFFD800  }
0x19: {  	[bflag:$0x0] =	sbarrier.arrive $0xFFFF  }
0x1a: {  	[tilespmem:s4], [sflag:$0x5] =	stream.linear.gather [hbm4b:s7+s4], $0x1400, $0x38;
	[tilespmem:$0x1E800] =	vst v63  }
0x1b: {  	_ =	swait.ge [sflag:s14], $0x1400  }
0x1c: {  	[sflag:s14] =	ssyncset.done $0x0  }
0x1d: {  	[sflag:s14] =	ssyncadd.s32 $0xFFFFEC00  }
0x1e: {  	[tilespmem:s15], [sflag:$0x5] =	stream.linear.gather [hbm4b:s8+s4], $0x1400, $0x38;
	[tilespmem:$0x1E800] =	vst v63  }
0x1f: {  	_ =	swait.ge [sflag:s14], $0x1400  }
0x20: {  	[sflag:s14] =	ssyncset.done $0x0  }
0x21: {  	[sflag:s14] =	ssyncadd.s32 $0xFFFFEC00  }
0x22: {  	[tilespmem:s17], [sflag:$0x1] =	stream.indirect.gather [hbm4b:s2+s16], $0x80, s4, s16, $0xb8;
	[tilespmem:$0x1E800] =	vst v63  }
0x23: {  	_ = 	snop  }
0x24: {  	[tilespmem:s18], [sflag:$0x2] =	stream.indirect.gather [hbm4b:s2+s16], $0x80, s16, s16, $0xb8;
	[tilespmem:$0x1E800] =	vst v63  }
0x25: {  	_ =	swait.ge [sflag:s19], $0x4000  }
0x26: {  	[sflag:s19] =	ssyncset.done $0x0  }
0x27: {  	[sflag:s19] =	ssyncadd.s32 $0xFFFFC000  }
0x28: {  	[spmem:s3] =	stream.indirect.scatter.add.f32 [tilespmem:s17], [sflag:$0x3], $0x80, s15, s16, $0xb8;
	[tilespmem:$0x1E800] =	vst v63  }
0x29: {  	_ =	swait.ge [sflag:s20], $0x4000  }
0x2a: {  	[sflag:s20] =	ssyncset.done $0x0  }
0x2b: {  	[sflag:s20] =	ssyncadd.s32 $0xFFFFC000  }
0x2c: {  	[spmem:s3] =	stream.indirect.scatter.add.f32 [tilespmem:s18], [sflag:$0x4], $0x80, s21, s16, $0xb8;
	[tilespmem:$0x1E800] =	vst v63  }
0x2d: {  	_ =	swait.ge [sflag:s22], $0x4000  }
0x2e: {  	[sflag:s22] =	ssyncset.done $0x0  }
0x2f: {  	s25 =	simm.s32 $0x100;
	[sflag:s22] =	ssyncadd.s32 $0xFFFFC000  }
0x30: {  	[tilespmem:s17], [sflag:$0x1] =	stream.indirect.gather [hbm4b:s2+s16], $0x80, s25, s16, $0xb8;
	[tilespmem:$0x1E800] =	vst v63  }
0x31: {  	_ =	swait.ge [sflag:s23], $0x4000  }
0x32: {  	[sflag:s23] =	ssyncset.done $0x0  }
0x33: {  	s30 =	simm.s32 $0x180;
	[sflag:s23] =	ssyncadd.s32 $0xFFFFC000  }
0x34: {  	[tilespmem:s18], [sflag:$0x2] =	stream.indirect.gather [hbm4b:s2+s16], $0x80, s30, s16, $0xb8;
	[tilespmem:$0x1E800] =	vst v63  }
0x35: {  	_ =	swait.ge [sflag:s19], $0x4000  }
0x36: {  	[sflag:s19] =	ssyncset.done $0x0  }
0x37: {  	s31 =	simm.s32 $0x1500;
	[sflag:s19] =	ssyncadd.s32 $0xFFFFC000  }
0x38: {  	[spmem:s3] =	stream.indirect.scatter.add.f32 [tilespmem:s17], [sflag:$0x3], $0x80, s31, s16, $0xb8;
	[tilespmem:$0x1E800] =	vst v63  }
0x39: {  	_ =	swait.ge [sflag:s20], $0x4000  }
0x3a: {  	[sflag:s20] =	ssyncset.done $0x0  }
0x3b: {  	s26 =	simm.s32 $0x1580;
	s25 =	simm.s32 $0xFFFFB800;
	[sflag:s20] =	ssyncadd.s32 $0xFFFFC000  }
.LBB2_2:
0x3c: {  	[spmem:s3] =	stream.indirect.scatter.add.f32 [tilespmem:s18], [sflag:$0x4], $0x80, s26, s16, $0xb8;
	[tilespmem:$0x1E800] =	vst v63  }
0x3d: {  	s26 =	smov.u32 s25  }
0x3e: {  	p0 =	sne.s32 s25, $0xFFFFFC00;
	s25 =	sadd.s32 $0x400, s25;
	_ =	swait.ge [sflag:s22], $0x4000  }
0x3f: {  	s26 =	sshra.s32 s26, $0x2;
	[sflag:s22] =	ssyncset.done $0x0  }
0x40: {  	s28 =	sadd.s32 $0x1400, s26;
	[sflag:s22] =	ssyncadd.s32 $0xFFFFC000  }
0x41: {  	[tilespmem:s17], [sflag:$0x1] =	stream.indirect.gather [hbm4b:s2+s16], $0x80, s28, s16, $0xb8;
	[tilespmem:$0x1E800] =	vst v63  }
0x42: {  	_ =	swait.ge [sflag:s23], $0x4000  }
0x43: {  	[sflag:s23] =	ssyncset.done $0x0  }
0x44: {  	s28 =	sadd.s32 $0x1480, s26;
	[sflag:s23] =	ssyncadd.s32 $0xFFFFC000  }
0x45: {  	[tilespmem:s18], [sflag:$0x2] =	stream.indirect.gather [hbm4b:s2+s16], $0x80, s28, s16, $0xb8;
	[tilespmem:$0x1E800] =	vst v63  }
0x46: {  	_ =	swait.ge [sflag:s19], $0x4000  }
0x47: {  	[sflag:s19] =	ssyncset.done $0x0  }
.Ltmp0:
0x48: {  	s28 =	sadd.s32 $0x2800, s26;
	[sflag:s19] =	ssyncadd.s32 $0xFFFFC000;
	(pc) =	sbr.rel @p0 .LBB2_2-.Ltmp0, $4  }
0x49: {  	[spmem:s3] =	stream.indirect.scatter.add.f32 [tilespmem:s17], [sflag:$0x3], $0x80, s28, s16, $0xb8;
	[tilespmem:$0x1E800] =	vst v63  }
0x4a: {  	_ =	swait.ge [sflag:s20], $0x4000  }
0x4b: {  	[sflag:s20] =	ssyncset.done $0x0  }
0x4c: {  	s26 =	sadd.s32 $0x2880, s26;
	[sflag:s20] =	ssyncadd.s32 $0xFFFFC000  }
0x4d: {  	[spmem:s3] =	stream.indirect.scatter.add.f32 [tilespmem:s18], [sflag:$0x4], $0x80, s26, s16, $0xb8;
	[tilespmem:$0x1E800] =	vst v63  }
0x4e: {  	_ =	swait.ge [sflag:s22], $0x4000  }
0x4f: {  	[sflag:s22] =	ssyncset.done $0x0  }
0x50: {  	[sflag:s22] =	ssyncadd.s32 $0xFFFFC000  }
0x51: {  	_ =	swait.ge [sflag:s23], $0x4000  }
0x52: {  	[sflag:s23] =	ssyncset.done $0x0  }
0x53: {  	[sflag:s23] =	ssyncadd.s32 $0xFFFFC000  }
0x54: {  	[tilespmem:s4], [sflag:$0x5] =	stream.linear.gather [hbm4b:s9+s4], $0x1400, $0x38;
	[tilespmem:$0x1E800] =	vst v63  }
0x55: {  	_ =	swait.ge [sflag:s14], $0x1400  }
0x56: {  	[sflag:s14] =	ssyncset.done $0x0  }
0x57: {  	[sflag:s14] =	ssyncadd.s32 $0xFFFFEC00  }
0x58: {  	[tilespmem:s15], [sflag:$0x5] =	stream.linear.gather [hbm4b:s10+s4], $0x1400, $0x38;
	[tilespmem:$0x1E800] =	vst v63  }
0x59: {  	_ =	swait.ge [sflag:s14], $0x1400  }
0x5a: {  	[sflag:s14] =	ssyncset.done $0x0  }
0x5b: {  	[sflag:s14] =	ssyncadd.s32 $0xFFFFEC00  }
0x5c: {  	[tilespmem:s17], [sflag:$0x1] =	stream.indirect.gather [hbm4b:s2+s16], $0x80, s4, s16, $0xb8;
	[tilespmem:$0x1E800] =	vst v63  }
0x5d: {  	_ = 	snop  }
0x5e: {  	[tilespmem:s18], [sflag:$0x2] =	stream.indirect.gather [hbm4b:s2+s16], $0x80, s16, s16, $0xb8;
	[tilespmem:$0x1E800] =	vst v63  }
0x5f: {  	_ =	swait.ge [sflag:s19], $0x4000  }
0x60: {  	[sflag:s19] =	ssyncset.done $0x0  }
0x61: {  	[sflag:s19] =	ssyncadd.s32 $0xFFFFC000  }
0x62: {  	[spmem:s3] =	stream.indirect.scatter.add.f32 [tilespmem:s17], [sflag:$0x3], $0x80, s15, s16, $0xb8;
	[tilespmem:$0x1E800] =	vst v63  }
0x63: {  	_ =	swait.ge [sflag:s20], $0x4000  }
0x64: {  	[sflag:s20] =	ssyncset.done $0x0  }
0x65: {  	[sflag:s20] =	ssyncadd.s32 $0xFFFFC000  }
0x66: {  	[spmem:s3] =	stream.indirect.scatter.add.f32 [tilespmem:s18], [sflag:$0x4], $0x80, s21, s16, $0xb8;
	[tilespmem:$0x1E800] =	vst v63  }
0x67: {  	_ =	swait.ge [sflag:s22], $0x4000  }
0x68: {  	[sflag:s22] =	ssyncset.done $0x0  }
0x69: {  	s25 =	simm.s32 $0x100;
	[sflag:s22] =	ssyncadd.s32 $0xFFFFC000  }
0x6a: {  	[tilespmem:s17], [sflag:$0x1] =	stream.indirect.gather [hbm4b:s2+s16], $0x80, s25, s16, $0xb8;
	[tilespmem:$0x1E800] =	vst v63  }
0x6b: {  	_ =	swait.ge [sflag:s23], $0x4000  }
0x6c: {  	[sflag:s23] =	ssyncset.done $0x0  }
0x6d: {  	s30 =	simm.s32 $0x180;
	[sflag:s23] =	ssyncadd.s32 $0xFFFFC000  }
0x6e: {  	[tilespmem:s18], [sflag:$0x2] =	stream.indirect.gather [hbm4b:s2+s16], $0x80, s30, s16, $0xb8;
	[tilespmem:$0x1E800] =	vst v63  }
0x6f: {  	_ =	swait.ge [sflag:s19], $0x4000  }
0x70: {  	[sflag:s19] =	ssyncset.done $0x0  }
0x71: {  	s31 =	simm.s32 $0x1500;
	[sflag:s19] =	ssyncadd.s32 $0xFFFFC000  }
0x72: {  	[spmem:s3] =	stream.indirect.scatter.add.f32 [tilespmem:s17], [sflag:$0x3], $0x80, s31, s16, $0xb8;
	[tilespmem:$0x1E800] =	vst v63  }
0x73: {  	_ =	swait.ge [sflag:s20], $0x4000  }
0x74: {  	[sflag:s20] =	ssyncset.done $0x0  }
0x75: {  	s26 =	simm.s32 $0x1580;
	s25 =	simm.s32 $0xFFFFB800;
	[sflag:s20] =	ssyncadd.s32 $0xFFFFC000  }
.LBB2_4:
0x76: {  	[spmem:s3] =	stream.indirect.scatter.add.f32 [tilespmem:s18], [sflag:$0x4], $0x80, s26, s16, $0xb8;
	[tilespmem:$0x1E800] =	vst v63  }
0x77: {  	s26 =	smov.u32 s25  }
0x78: {  	p0 =	sne.s32 s25, $0xFFFFFC00;
	s25 =	sadd.s32 $0x400, s25;
	_ =	swait.ge [sflag:s22], $0x4000  }
0x79: {  	s26 =	sshra.s32 s26, $0x2;
	[sflag:s22] =	ssyncset.done $0x0  }
0x7a: {  	s28 =	sadd.s32 $0x1400, s26;
	[sflag:s22] =	ssyncadd.s32 $0xFFFFC000  }
0x7b: {  	[tilespmem:s17], [sflag:$0x1] =	stream.indirect.gather [hbm4b:s2+s16], $0x80, s28, s16, $0xb8;
	[tilespmem:$0x1E800] =	vst v63  }
0x7c: {  	_ =	swait.ge [sflag:s23], $0x4000  }
0x7d: {  	[sflag:s23] =	ssyncset.done $0x0  }
0x7e: {  	s28 =	sadd.s32 $0x1480, s26;
	[sflag:s23] =	ssyncadd.s32 $0xFFFFC000  }
0x7f: {  	[tilespmem:s18], [sflag:$0x2] =	stream.indirect.gather [hbm4b:s2+s16], $0x80, s28, s16, $0xb8;
	[tilespmem:$0x1E800] =	vst v63  }
0x80: {  	_ =	swait.ge [sflag:s19], $0x4000  }
0x81: {  	[sflag:s19] =	ssyncset.done $0x0  }
.Ltmp1:
0x82: {  	s28 =	sadd.s32 $0x2800, s26;
	[sflag:s19] =	ssyncadd.s32 $0xFFFFC000;
	(pc) =	sbr.rel @p0 .LBB2_4-.Ltmp1, $4  }
0x83: {  	[spmem:s3] =	stream.indirect.scatter.add.f32 [tilespmem:s17], [sflag:$0x3], $0x80, s28, s16, $0xb8;
	[tilespmem:$0x1E800] =	vst v63  }
0x84: {  	_ =	swait.ge [sflag:s20], $0x4000  }
0x85: {  	[sflag:s20] =	ssyncset.done $0x0  }
0x86: {  	s26 =	sadd.s32 $0x2880, s26;
	[sflag:s20] =	ssyncadd.s32 $0xFFFFC000  }
0x87: {  	[spmem:s3] =	stream.indirect.scatter.add.f32 [tilespmem:s18], [sflag:$0x4], $0x80, s26, s16, $0xb8;
	[tilespmem:$0x1E800] =	vst v63  }
0x88: {  	_ =	swait.ge [sflag:s22], $0x4000  }
0x89: {  	[sflag:s22] =	ssyncset.done $0x0  }
0x8a: {  	[sflag:s22] =	ssyncadd.s32 $0xFFFFC000  }
0x8b: {  	_ =	swait.ge [sflag:s23], $0x4000  }
0x8c: {  	s24 =	sadd.s32 $0x1, s24;
	[sflag:s23] =	ssyncset.done $0x0  }
0x8d: {  	p0 =	sne.s32 s24, s12;
	[sflag:s23] =	ssyncadd.s32 $0xFFFFC000  }
.Ltmp2:
0x8e: {  	[bflag:$0x0] =	sbarrier.arrive $0xFFFF;
	(pc) =	sbr.rel @p0 .LBB2_1-.Ltmp2, $4  }
0x8f: {  	[hbm:s11], [sflag:s6] =	dma.local [spmem:s13], $0x2800  }
0x90: {  	_ =	swait.ge [sflag:s14], $0x2800  }
0x91: {  	[sflag:s14] =	ssyncset.done $0x0  }
0x92: {  	[sflag:s14] =	ssyncadd.s32 $0xFFFFD800  }
0x93: {  	_ =	sfence.sel $0x180000  }
0x94: {  	[bflag:$0x0] =	sbarrier.arrive $0xFFFF  }
0x95: {  	p0 =	sne.s32 s1, $0x0;
	_ =	strace $0x9000004D  }
0x96: {  	s0 =	sadd.s32 @!p0 $0x100000, s0;
	[bflag:$0x2] =	sbarrier.arrive $0xFFFF  }
0x97: {  	[sflag:s0] =	ssyncadd.tile.s32 @!p0 $0x1;
	_ =	shalt  }
.Lfunc_end2:
_tile_overlayer_lowered:
.L_overlay_start_2:
0x98: {  	(tag) =	ssettag $0x2  }
0x99: {  	s0 =	rddreg [dreg:$0x0];
	s2 =	stileid.u32  }
0x9a: {  	s1 =	rddreg [dreg:$0x1];
	p0 =	sne.s32 s2, $0x0  }
0x9b: {  	s3 =	rddreg [dreg:$0x2];
	[bflag:$0x3] =	sbarrier.arrive $0xFFFF;
	s2 =	simm.s32 @!p0 $0x1C05  }
0x9c: {  	[timem:s3], [sflag:s2] =	dma.local @!p0 [hbm:s0], s1  }
0x9d: {  	s0 =	simm.s32 @!p0 $0x5  }
0x9e: {  	_ =	swait.ge @!p0 [sflag:s0], s1  }
0x9f: {  	s1 =	ssub.s32 @!p0 $0x0, s1;
	[sflag:s0] =	ssyncset.done @!p0 $0x0  }
0xa0: {  	[sflag:s0] =	ssyncadd.s32 @!p0 s1  }
0xa1: {  	[bflag:$0x3] =	sbarrier.arrive $0xFFFF  }
0xa2: {  	_ =	shalt  }

// kernel: kernel.9.cloned.1.call-start
scs
__scs_entry_jumppad:
0x0: {  	(pc) =	sbr.rel $0x88, $3  }
0x1: {  	(tag) =	ssettag $0x0;
	lr =	simm.s32 $0x1  }
0x2: {  	[smem:$0x3F9B] =	sst lr;
	_ =	strace $0xD0000000  }
0x3: {  	_ = 	snop  }
0x4: {  	_ = 	snop  }
0x5: {  	_ = 	snop  }
0x6: {  	_ = 	snop  }
0x7: {  	_ = 	snop  }
__scs_overlays_trampoline_lowered:
0x8: {  	[smem:$0x3FAA] =	sst s0  }
0x9: {  	[smem:$0x3FAB] =	sst s1  }
0xa: {  	[smem:$0x3FAC] =	sst s2  }
0xb: {  	[smem:$0x3FAD] =	sst s3  }
0xc: {  	[smem:$0x3FAE] =	sst s4  }
0xd: {  	[smem:$0x3FAF] =	sst s5  }
0xe: {  	[smem:$0x3FB0] =	sst s6  }
0xf: {  	[smem:$0x3FB1] =	sst s7  }
0x10: {  	[smem:$0x3FB2] =	sst s8  }
0x11: {  	[smem:$0x3FB3] =	sst s9;
	s0 =	simm.s32 @!p0 $0x0  }
0x12: {  	s1 =	sld [smem:$0x3F99];
	s0 =	simm.s32 @p0 $0x1  }
0x13: {  	[smem:$0x3FB4] =	sst s0;
	s0 =	simm.s32 @!p1 $0x0  }
0x14: {  	s2 =	sld [smem:$0x3F98];
	s0 =	simm.s32 @p1 $0x1  }
0x15: {  	[smem:$0x3FB5] =	sst s0;
	s0 =	simm.s32 @!p2 $0x0  }
0x16: {  	s3 =	sld [smem:$0x3FDB];
	s0 =	simm.s32 @p2 $0x1  }
0x17: {  	s4 =	simm.s32 $0x1BF5;
	[smem:$0x3FB7] =	sst s0  }
0x18: {  	s0 =	sld [smem:$0x3F9A];
	_ =	swait.ge [sflag:s4], $0x0  }
0x19: {  	s7 =	sld [smem:$0x3F9B]  }
0x1a: {  	s8 =	sadd.s32 $0xFFFFE003, lr  }
0x1b: {  	s9 =	sadd.s32 $0xFFFFFEF7, lr;
	s5 =	simm.s32 $0xFFFFFFFF;
	p2 =	slt.u32 s8, $0xFFFFF086  }
0x1c: {  	p1 =	slt.u32 s9, $0xF7A;
	s5 =	simm.s32 @!p2 $0x0  }
0x1d: {  	s5 =	simm.s32 @p1 $0x1;
	p0 =	seq.s32 s7, s2  }
0x1e: {  	s7 =	smul.u32 @!p0 $0xF7A, s2;
	p2 =	seq.s32 @!p0 s5, $0x0  }
0x1f: {  	s9 =	smul.u32 $0xF7A, s1;
	s8 =	simm.s32 @!p0 $0x1BF5;
	p2 =	por !p2, p0  }
0x20: {  	[sflag:s8] =	ssyncset.s32 @!p0 $0xFFFFF086;
	s6 =	sadd.s32 @!p0 s3, s7;
	s7 =	simm.s32 @!p0 $0x108  }
0x21: {  	s3 =	sadd.s32 s3, s9;
	s6 =	sadd.s32 @!p0 $0x88, s6;
	s7 =	simm.s32 @p2 $0x1082  }
0x22: {  	[simem:s7], [sflag:s8] =	dma.local @!p0 [hbm:s6], $0xF7A  }
0x23: {  	s9 =	sor.u32 $0xD0000000, s2;
	s6 =	simm.s32 $0x108;
	_ =	swait.ge @!p0 [sflag:s8], $0x0  }
0x24: {  	s3 =	sadd.s32 $0x88, s3;
	s6 =	simm.s32 @!p1 $0x1082;
	[sflag:s4] =	ssyncset.s32 $0xFFFFF086  }
0x25: {  	[simem:s6], [sflag:s4] =	dma.local [hbm:s3], $0xF7A  }
0x26: {  	[smem:$0x3F9B] =	sst s1;
	(tag) =	ssettag s2;
	_ =	strace s9  }
0x27: {  	s1 =	sld [smem:$0x3FAB]  }
0x28: {  	s2 =	sld [smem:$0x3FAC]  }
0x29: {  	s4 =	sld [smem:$0x3FAE]  }
0x2a: {  	p0 =	seq.s32 s5, $0x0;
	s5 =	sld [smem:$0x3FAF]  }
0x2b: {  	s6 =	sld [smem:$0x3FB0]  }
0x2c: {  	s7 =	sld [smem:$0x3FB1]  }
0x2d: {  	s3 =	simm.s32 $0x108;
	s8 =	sld [smem:$0x3FB2]  }
0x2e: {  	s3 =	simm.s32 @!p0 $0x1082;
	s9 =	sld [smem:$0x3FB3]  }
0x2f: {  	lr =	sadd.s32 s0, s3;
	s0 =	sld [smem:$0x3FAA]  }
0x30: {  	s3 =	sld [smem:$0x3FAD]  }
0x31: {  	[smem:$0x3FB6] =	sst s10  }
0x32: {  	s10 =	sld [smem:$0x3FB4];
	_ =	sdelay $0x3  }
0x33: {  	p0 =	seq.s32 s10, $0x1;
	s10 =	sld [smem:$0x3FB6];
	_ =	sdelay $0x3  }
0x34: {  	[smem:$0x3FB6] =	sst s10  }
0x35: {  	s10 =	sld [smem:$0x3FB5];
	_ =	sdelay $0x3  }
0x36: {  	p1 =	seq.s32 s10, $0x1;
	s10 =	sld [smem:$0x3FB6];
	_ =	sdelay $0x3  }
0x37: {  	[smem:$0x3FB6] =	sst s10  }
0x38: {  	s10 =	sld [smem:$0x3FB7]  }
0x39: {  	_ = 	snop;
	(pc) =	sbr.ind lr, $3  }
0x3a: {  	_ = 	snop  }
0x3b: {  	_ = 	snop  }
0x3c: {  	p2 =	seq.s32 s10, $0x1;
	s10 =	sld [smem:$0x3FB6]  }
0x3d: {  	_ =	shalt  }
0x3e: {  	_ =	shalt  }
0x3f: {  	_ =	shalt  }
0x40: {  	_ =	shalt  }
0x41: {  	_ =	shalt  }
0x42: {  	_ =	shalt  }
0x43: {  	_ =	shalt  }
0x44: {  	_ =	shalt  }
0x45: {  	_ =	shalt  }
0x46: {  	_ =	shalt  }
0x47: {  	_ =	shalt  }
0x48: {  	_ =	shalt  }
0x49: {  	_ =	shalt  }
0x4a: {  	_ =	shalt  }
0x4b: {  	_ =	shalt  }
0x4c: {  	_ =	shalt  }
0x4d: {  	_ =	shalt  }
0x4e: {  	_ =	shalt  }
0x4f: {  	_ =	shalt  }
0x50: {  	_ =	shalt  }
0x51: {  	_ =	shalt  }
0x52: {  	_ =	shalt  }
0x53: {  	_ =	shalt  }
0x54: {  	_ =	shalt  }
0x55: {  	_ =	shalt  }
0x56: {  	_ =	shalt  }
0x57: {  	_ =	shalt  }
0x58: {  	_ =	shalt  }
0x59: {  	_ =	shalt  }
0x5a: {  	_ =	shalt  }
0x5b: {  	_ =	shalt  }
0x5c: {  	_ =	shalt  }
0x5d: {  	_ =	shalt  }
0x5e: {  	_ =	shalt  }
0x5f: {  	_ =	shalt  }
0x60: {  	_ =	shalt  }
0x61: {  	_ =	shalt  }
0x62: {  	_ =	shalt  }
0x63: {  	_ =	shalt  }
0x64: {  	_ =	shalt  }
0x65: {  	_ =	shalt  }
0x66: {  	_ =	shalt  }
0x67: {  	_ =	shalt  }
0x68: {  	_ =	shalt  }
0x69: {  	_ =	shalt  }
0x6a: {  	_ =	shalt  }
0x6b: {  	_ =	shalt  }
0x6c: {  	_ =	shalt  }
0x6d: {  	_ =	shalt  }
0x6e: {  	_ =	shalt  }
0x6f: {  	_ =	shalt  }
0x70: {  	_ =	shalt  }
0x71: {  	_ =	shalt  }
0x72: {  	_ =	shalt  }
0x73: {  	_ =	shalt  }
0x74: {  	_ =	shalt  }
0x75: {  	_ =	shalt  }
0x76: {  	_ =	shalt  }
0x77: {  	_ =	shalt  }
0x78: {  	_ =	shalt  }
0x79: {  	_ =	shalt  }
0x7a: {  	_ =	shalt  }
0x7b: {  	_ =	shalt  }
0x7c: {  	_ =	shalt  }
0x7d: {  	_ =	shalt  }
0x7e: {  	_ =	shalt  }
0x7f: {  	_ =	shalt  }
0x80: {  	_ =	shalt  }
0x81: {  	_ =	shalt  }
0x82: {  	_ =	shalt  }
0x83: {  	_ =	shalt  }
0x84: {  	_ =	shalt  }
0x85: {  	_ =	shalt  }
0x86: {  	_ =	shalt  }
0x87: {  	_ =	shalt  }
.Lfunc_end0:
.L_simem_size_0:
called_computation_lowered:
.L_overlay_start_0:
0x88: {  	s2 =	sld [smem:$0x3FD9]  }
0x89: {  	s3 =	sld [smem:$0x3FFE];
	_ =	sdelay $0x1  }
0x8a: {  	s1 =	srdreg.scid  }
0x8b: {  	s0 =	sand.u32 $0x1, s1  }
0x8c: {  	s17 =	sshll.u32 s0, $0xA;
	s2 =	sadd.s32 s3, s2  }
0x8d: {  	s2 =	sadd.s32 s2, s17  }
0x8e: {  	[smem:$0x3FC2] =	sst s2  }
0x8f: {  	_ = 	snop  }
0x90: {  	s2 =	sld [smem:$0x3FD0];
	(tm) =	ssettm $0x1  }
0x91: {  	s18 =	sld [smem:$0x3FFB];
	_ =	sdelay $0x3  }
0x92: {  	_ =	strace s18  }
0x93: {  	s3 =	sld [smem:$0x3FFC];
	_ =	sdelay $0x3  }
0x94: {  	_ =	strace s3  }
0x95: {  	s3 =	sld [smem:$0x3FFD];
	_ =	sdelay $0x3  }
0x96: {  	_ =	strace s3  }
0x97: {  	_ =	strace $0x8FFFFFFF  }
0x98: {  	s19 =	sld [smem:$0x3FDB];
	_ =	sdelay $0x1  }
0x99: {  	s4 =	simm.s32 $_scs_section_size  }
0x9a: {  	s5 =	simm.s32 $_size__tile_overlayer_lowered;
	s6 =	simm.s32 $_tile_overlayer_lowered  }
0x9b: {  	s22 =	simm.s32 $0x1BFF;
	s21 =	sshll.u32 s6, $0x1;
	s3 =	sadd.s32 s4, s19  }
0x9c: {  	s7 =	simm.s32 $0x0;
	s20 =	sshll.u32 s5, $0x1;
	s5 =	sadd.s32 s21, s3  }
0x9d: {  	[timem:s7], [sflag:s22] =	dma.local [hbm:s5], s20  }
0x9e: {  	_ =	swait.ge [sflag:s22], s20  }
0x9f: {  	s4 =	ssub.s32 $0x0, s20;
	[sflag:s22] =	ssyncset.done $0x0  }
0xa0: {  	[sflag:s22] =	ssyncadd.s32 s4;
	_ =	sdelay $0x1  }
0xa1: {  	s23 =	simm.s32 $0x1B8B  }
0xa2: {  	_ =	swait.ge [sflag:s23], $0x1  }
0xa3: {  	[sflag:s23] =	ssyncset.done $0x0  }
0xa4: {  	s25 =	simm.s32 $0x1B8E;
	s24 =	sld [smem:$0x3FFE];
	[sflag:s23] =	ssyncadd.s32 $0xFFFFFFFF  }
0xa5: {  	s26 =	simm.s32 $execute0_lowered;
	[smem:$0x3FD2] =	sst s25  }
0xa6: {  	s5 =	sshll.u32 s26, $0x1;
	_ =	strace $0x80000046;
	[dreg:$0x1] =	wrdreg $0xFFFFFFFF  }
0xa7: {  	s28 =	simm.s32 $_size_execute0_lowered;
	s3 =	sadd.s32 s3, s5;
	[dreg:$0x0] =	wrdreg $0x0  }
0xa8: {  	s5 =	sshll.u32 s28, $0x1;
	[dreg:$0x2] =	wrdreg s3  }
0xa9: {  	[dreg:$0x3] =	wrdreg s5  }
0xaa: {  	[dreg:$0x4] =	wrdreg $0xC0  }
0xab: {  	_ =	task [dreg:s7], $0x5FFFF  }
0xac: {  	[dreg:$0x1] =	wrdreg $0xFFFFFFFF  }
0xad: {  	[dreg:$0x0] =	wrdreg $0x60  }
0xae: {  	[dreg:$0x2] =	wrdreg s24  }
0xaf: {  	[dreg:$0x3] =	wrdreg s2  }
0xb0: {  	[dreg:$0x4] =	wrdreg $0x68000  }
0xb1: {  	[dreg:$0x5] =	wrdreg $0x9  }
0xb2: {  	_ =	task.clear_ibuf [dreg:s7], $0x6FFFF;
	_ =	strace $0x90000046  }
0xb3: {  	s29 =	simm.s32 $0x9;
	_ =	strace $0x80000048  }
0xb4: {  	_ =	swait.ge [sflag:s29], $0x1  }
0xb5: {  	[sflag:s29] =	ssyncadd.s32 $0xFFFFFFFF  }
0xb6: {  	_ =	strace $0x90000048  }
0xb7: {  	_ =	sfence  }
0xb8: {  	s30 =	sld [smem:$0x0];
	_ =	sdelay $0x2  }
0xb9: {  	s31 =	sshll.u32 s1, $0xD;
	s1 =	sshrl.u32 s1, $0x2  }
0xba: {  	s3 =	sand.u32 $0x4000, s31;
	s1 =	sadd.s32 s1, s30  }
0xbb: {  	s0 =	sor.u32 s3, s0;
	s1 =	sshll.u32 s1, $0x11  }
0xbc: {  	s0 =	sor.u32 s1, s0  }
0xbd: {  	s0 =	sadd.s32 $0x8F2B, s0  }
0xbe: {  	[sflag:s0] =	ssyncadd.remote.s32 $0x1  }
0xbf: {  	_ =	sfence.sel $0xFFFF  }
0xc0: {  	[dreg:$0x0] =	wrdreg $0xFFFFFFFF;
	(pc) =	sbr.abs _section_cstart, $3  }
0xc1: {  	[dreg:$0x1] =	wrdreg $0xFFFFFFFF  }
0xc2: {  	_ =	task.clear_ibuf [dreg:s7], $0x2FFFF;
	_ =	strace $0x9FFFFFFF  }
0xc3: {  	(tm) =	ssettm $0x7FFFFFFF  }
tec
execute0_lowered:
.L_overlay_start_1:
0x0: {  	(tag) =	ssettag $0x1  }
0x1: {  	s5 =	rddreg [dreg:$0x0]  }
0x2: {  	s0 =	srdreg.scid;
	s2 =	rddreg [dreg:$0x1]  }
0x3: {  	s3 =	rddreg [dreg:$0x2];
	s6 =	sand.u32 $0x1, s0;
	s0 =	stileid.u32  }
0x4: {  	s4 =	simm.s32 $0x0;
	s13 =	simm.s32 $0x80;
	s8 =	smul.u32 $0x14000, s0  }
0x5: {  	s14 =	simm.s32 $0x1;
	s15 =	simm.s32 $0x0;
	s9 =	smul.u32 $0x140000, s6  }
0x6: {  	[smem:$0x7FF] =	sst s4;
	s1 =	sshll.u32 s6, $0x4;
	s11 =	smul.u32 $0x50000, s0  }
0x7: {  	s6 =	ssub.s32 $0x2, s6;
	s31 =	sshll.u32 s0, $0x6;
	s7 =	sor.u32 s0, s1  }
0x8: {  	s1 =	rddreg [dreg:$0x3];
	_ =	strace $0x80000047;
	s30 =	sshrl.u32 s6, $0x1  }
0x9: {  	s7 =	smul.u32 $0x500, s7;
	s10 =	sshrl.u32 s8, $0x3;
	s8 =	sadd.s32 s8, s9  }
0xa: {  	s11 =	sshrl.u32 s11, $0x2;
	s9 =	ssub.s32 s6, s30;
	s10 =	sadd.s32 s10, s5  }
0xb: {  	s8 =	sshrl.u32 s8, $0x3;
	s12 =	sadd.s32 s11, s3;
	s11 =	sor.u32 $0x1C02, s31  }
0xc: {  	s7 =	sadd.s32 s7, s5;
	s8 =	sadd.s32 s8, s5;
	s5 =	sadd.s32 $0x16800, s10  }
0xd: {  	s10 =	simm.s32 $0x2;
	s12 =	sshrl.u32 s12, $0x3;
	s6 =	sadd.s32 $0x2800, s7  }
0xe: {  	s7 =	sadd.s32 $0x3E800, s8;
	s8 =	smax.u32 s9, $0x1;
	s9 =	simm.s32 $0x2800  }
.LBB2_1:
0xf: {  	[tilespmem:s9], [sflag:$0x2] =	stream.linear.gather [hbm4b:s2+s4], $0x4000, $0x38;
	[tilespmem:$0x1A800] =	vst v63  }
0x10: {  	_ =	swait.ge [sflag:s10], $0x4000  }
0x11: {  	[sflag:s10] =	ssyncset.done $0x0  }
0x12: {  	[sflag:s10] =	ssyncadd.s32 $0xFFFFC000  }
0x13: {  	[spmem:s12], [sflag:s11] =	dma.local [hbm:s5], $0x2800  }
0x14: {  	_ =	swait.ge [sflag:s10], $0x2800  }
0x15: {  	[sflag:s10] =	ssyncset.done $0x0  }
0x16: {  	[sflag:s10] =	ssyncadd.s32 $0xFFFFD800  }
0x17: {  	[tilespmem:s4], [sflag:$0x2] =	stream.linear.gather [hbm4b:s6+s4], $0x2800, $0x38;
	[tilespmem:$0x1A800] =	vst v63  }
0x18: {  	_ =	swait.ge [sflag:s10], $0x2800  }
0x19: {  	[sflag:s10] =	ssyncset.done $0x0  }
0x1a: {  	[sflag:s10] =	ssyncadd.s32 $0xFFFFD800  }
0x1b: {  	s16 =	simm.s32 $0x0;
	[bflag:$0x0] =	sbarrier.arrive $0xFFFF  }
.LBB2_2:
0x1c: {  	p0 =	sne.s32 s16, $0x9E00  }
.Ltmp0:
0x1d: {  	_ = 	snop;
	(pc) =	sbr.rel @p0 .LBB2_2-.Ltmp0, $3  }
0x1e: {  	_ =	sdelay $0x1  }
0x1f: {  	s17 =	sshra.s32 s16, $0x2;
	s16 =	sadd.s32 $0x200, s16  }
0x20: {  	[spmem:s3] =	stream.indirect.scatter.add.f32 [tilespmem:s9], [sflag:$0x1], $0x80, s17, s13, $0xb8;
	[tilespmem:$0x1A800] =	vst v63  }
0x21: {  	_ =	swait.ge [sflag:s14], $0x4000  }
0x22: {  	s16 =	simm.s32 $0x4F;
	[sflag:s14] =	ssyncset.done $0x0  }
.LBB2_4:
0x23: {  	p0 =	sne.s32 s16, $0x1;
	s16 =	sadd.s32 $0xFFFFFFFF, s16;
	[sflag:s14] =	ssyncadd.s32 $0xFFFFC000  }
.Ltmp1:
0x24: {  	(pc) =	sbr.rel @p0 .LBB2_4-.Ltmp1, $3  }
0x25: {  	_ =	sdelay $0x1  }
0x26: {  	_ =	swait.ge [sflag:s14], $0x4000  }
0x27: {  	[sflag:s14] =	ssyncset.done $0x0  }
0x28: {  	s15 =	sadd.s32 $0x1, s15  }
0x29: {  	[sflag:s14] =	ssyncadd.s32 $0xFFFFC000;
	p0 =	sne.s32 s15, s8  }
.Ltmp2:
0x2a: {  	[bflag:$0x0] =	sbarrier.arrive $0xFFFF;
	(pc) =	sbr.rel @p0 .LBB2_1-.Ltmp2, $4  }
0x2b: {  	[hbm:s7], [sflag:s11] =	dma.local [spmem:s12], $0x2800  }
0x2c: {  	_ =	swait.ge [sflag:s10], $0x2800  }
0x2d: {  	[sflag:s10] =	ssyncset.done $0x0  }
0x2e: {  	[sflag:s10] =	ssyncadd.s32 $0xFFFFD800  }
0x2f: {  	_ =	sfence.sel $0x180000  }
0x30: {  	[bflag:$0x0] =	sbarrier.arrive $0xFFFF  }
0x31: {  	p0 =	sne.s32 s0, $0x0;
	_ =	strace $0x90000047  }
0x32: {  	s0 =	sadd.s32 @!p0 $0x100000, s1;
	[bflag:$0x2] =	sbarrier.arrive $0xFFFF  }
0x33: {  	[sflag:s0] =	ssyncadd.tile.s32 @!p0 $0x1;
	_ =	shalt  }
.Lfunc_end2:
_tile_overlayer_lowered:
.L_overlay_start_2:
0x34: {  	(tag) =	ssettag $0x2  }
0x35: {  	s0 =	rddreg [dreg:$0x0];
	s2 =	stileid.u32  }
0x36: {  	s1 =	rddreg [dreg:$0x1];
	p0 =	sne.s32 s2, $0x0  }
0x37: {  	s3 =	rddreg [dreg:$0x2];
	[bflag:$0x3] =	sbarrier.arrive $0xFFFF;
	s2 =	simm.s32 @!p0 $0x1C02  }
0x38: {  	[timem:s3], [sflag:s2] =	dma.local @!p0 [hbm:s0], s1  }
0x39: {  	s0 =	simm.s32 @!p0 $0x2  }
0x3a: {  	_ =	swait.ge @!p0 [sflag:s0], s1  }
0x3b: {  	s1 =	ssub.s32 @!p0 $0x0, s1;
	[sflag:s0] =	ssyncset.done @!p0 $0x0  }
0x3c: {  	[sflag:s0] =	ssyncadd.s32 @!p0 s1  }
0x3d: {  	[bflag:$0x3] =	sbarrier.arrive $0xFFFF  }
0x3e: {  	_ =	shalt  }

</sc_bundles>
